<compile_context>
chip_gen: v7x
topology: tpu7x:2x2x1
jax: 0.10.2.dev20260603
libtpu: 0.0.44.dev20260713+nightly
codegen_flags: <defaults>
</compile_context>

<pallas_src>
import functools
import math

import jax
import jax.numpy as jnp
from jax import lax
from jax.experimental import pallas as pl
from jax.experimental.pallas import tpu as pltpu
from jax.experimental.pallas import tpu_sc as plsc

D_MODEL = 64
SCALE = math.sqrt(D_MODEL)
LANES = 16
NC, NS = 2, 16
NW = NC * NS
W = 256
NBUF = 2


def _sc_embed(xf, lut):
    n_per = xf.shape[1]
    n = NW * n_per
    n_win = n_per // W
    assert n_per % W == 0 and n_win % NBUF == 0

    mesh = plsc.VectorSubcoreMesh(core_axis_name="c", subcore_axis_name="s")

    @functools.partial(
        pl.kernel,
        out_type=jax.ShapeDtypeStruct((n, D_MODEL), jnp.float32),
        mesh=mesh,
        scratch_types=[
            pltpu.VMEM((1, n_per), jnp.int32),
            pltpu.VMEM((NBUF, W, D_MODEL), jnp.float32),
            pltpu.SemaphoreType.DMA((NBUF,)),
        ],
        compiler_params=pltpu.CompilerParams(use_tc_tiling_on_sc=False),
    )
    def k(xf_hbm, lut_hbm, out_hbm, idx_v, rows_v, gsem):
        wid = lax.axis_index("s") * NC + lax.axis_index("c")
        pltpu.sync_copy(xf_hbm.at[pl.ds(wid, 1)], idx_v)
        row0 = wid * n_per

        def fire_gather(w, b):
            pltpu.async_copy(
                lut_hbm.at[idx_v.at[0, pl.ds(w * W, W)]],
                rows_v.at[b],
                gsem.at[b],
            )

        def drain_gather(b):
            pltpu.make_async_copy(
                lut_hbm.at[pl.ds(0, W)], rows_v.at[b], gsem.at[b]
            ).wait()

        for b in range(NBUF):
            fire_gather(jnp.int32(b), b)

        @pl.loop(0, n_win, step=NBUF)
        def _(w0):
            for b in range(NBUF):
                w = w0 + b
                drain_gather(b)

                @pl.loop(0, W, step=4)
                def _(r0):
                    for dr in range(4):
                        for c in range(D_MODEL // LANES):
                            sl = pl.ds(c * LANES, LANES)
                            rows_v[b, r0 + dr, sl] = (
                                rows_v[b, r0 + dr, sl] * SCALE)

                pltpu.sync_copy(
                    rows_v.at[b], out_hbm.at[pl.ds(row0 + w * W, W)])

                @pl.when(w + NBUF < n_win)
                def _():
                    fire_gather(w + NBUF, b)

    return k(xf, lut)


def kernel(x, lut):
    batch, hist = x.shape
    xf = x.reshape(NW, (batch * hist) // NW).astype(jnp.int32)
    out = _sc_embed(xf, lut)
    return out.reshape(batch, hist, D_MODEL)

# --- scband reference (transcript-rebuilt; emitter-appended) ---
"""Pipeline reference for scband-embeddings-true-4140348473356 (READ-ONLY COPY).

The authoritative reference and input builder live on the scoring server;
editing this copy changes nothing except your own understanding.
"""

import jax, jax.numpy as jnp
import numpy as np
import math

D_MODEL = 64
VOCAB = 1000000
BATCH = 16384
HIST = 50

def setup_inputs(seed: int = 0) -> dict:
    key = jax.random.key(seed)
    k1, k2 = jax.random.split(key)
    x = jax.random.randint(k1, (BATCH, HIST), 0, VOCAB, dtype=jnp.int64 if jax.config.jax_enable_x64 else jnp.int32)
    lut = jax.random.normal(k2, (VOCAB, D_MODEL), dtype=jnp.float32)
    return {"x": x, "lut": lut}

def reference(x, lut):
    # Embedding lookup scaled by sqrt(d_model)
    emb = jnp.take(lut, x, axis=0)
    return emb * math.sqrt(D_MODEL)

if __name__ == "__main__":
    import jax
    _d = setup_inputs()
    print(jax.jit(kernel)(*tuple(_d.values())))

</pallas_src>

<mosaic_0001>
#map = affine_map<(d0, d1) -> (0, 0)>
module attributes {stable_mosaic.version = 14 : i64} {
  func.func @k(%arg0: i32, %arg1: i32, %arg2: memref<32x25600xi32, #tpu.memory_space<hbm>>, %arg3: memref<1000000x64xf32, #tpu.memory_space<hbm>>, %arg4: memref<819200x64xf32, #tpu.memory_space<hbm>>, %arg5: memref<1x25600xi32, #tpu.memory_space<vmem>>, %arg6: memref<2x256x64xf32, #tpu.memory_space<vmem>>, %arg7: memref<2x!tpu.dma_semaphore, #tpu.memory_space<semaphore_mem>>) attributes {dimension_semantics = [#tpu.dimension_semantics<core_parallel>, #tpu.dimension_semantics<subcore_parallel>], iteration_bounds = array<i64: 2, 16>, scalar_prefetch = 0 : i64, scratch_operands = 3 : i64, tpu.core_type = #tpu.core_type<sc_vector_subcore>, window_params = [{transform_indices = #map}, {transform_indices = #map}, {transform_indices = #map}]} {
    %mul3A = arith.constant 2 : i32
    %mul3A_0 = arith.muli %arg1, %mul3A : i32
    %add3A = arith.addi %mul3A_0, %arg0 : i32
    "tpu.region"() ({
      %run_scoped3A = tpu.sem_alloc : memref<!tpu.dma_semaphore, #tpu.memory_space<semaphore_mem>>
      %dma_start3A_40 = arith.constant 0 : i32
      %dma_start3A_41 = tpu.memref_slice %arg2[%add3A, %dma_start3A_40] : memref<32x25600xi32, #tpu.memory_space<hbm>> -> memref<1x25600xi32, #tpu.memory_space<hbm>>
      %dma_start3A_42 = arith.constant 0 : i32
      %dma_start3A_43 = tpu.memref_slice %arg2[%add3A, %dma_start3A_42] : memref<32x25600xi32, #tpu.memory_space<hbm>> -> memref<1x25600xi32, #tpu.memory_space<hbm>>
      tpu.enqueue_dma source(%dma_start3A_43 : memref<1x25600xi32, #tpu.memory_space<hbm>>) target(%arg5 : memref<1x25600xi32, #tpu.memory_space<vmem>>) target_semaphore(%run_scoped3A : memref<!tpu.dma_semaphore, #tpu.memory_space<semaphore_mem>>)
      %dma_wait3A = arith.constant 0 : i32
      %dma_wait3A_44 = tpu.memref_slice %arg2[%add3A, %dma_wait3A] : memref<32x25600xi32, #tpu.memory_space<hbm>> -> memref<1x25600xi32, #tpu.memory_space<hbm>>
      %dma_wait3A_45 = arith.constant 0 : i32
      %dma_wait3A_46 = tpu.memref_slice %arg2[%add3A, %dma_wait3A_45] : memref<32x25600xi32, #tpu.memory_space<hbm>> -> memref<1x25600xi32, #tpu.memory_space<hbm>>
      tpu.wait_dma2 semaphore(%run_scoped3A : memref<!tpu.dma_semaphore, #tpu.memory_space<semaphore_mem>>) src(%dma_wait3A_46 : memref<1x25600xi32, #tpu.memory_space<hbm>>) dst(%arg5 : memref<1x25600xi32, #tpu.memory_space<vmem>>)
      tpu.yield
    }) : () -> ()
    %mul3A_1 = arith.constant 25600 : i32
    %mul3A_2 = arith.muli %add3A, %mul3A_1 : i32
    %mul3A_3 = arith.constant 0 : i32
    %mul3A_4 = arith.constant 256 : i32
    %mul3A_5 = arith.muli %mul3A_3, %mul3A_4 : i32
    %dma_start3A = arith.constant 0 : i32
    %dma_start3A_6 = arith.constant 0 : i32
    %dma_start3A_7 = arith.constant 0 : i32
    %dma_start3A_8 = arith.constant 0 : i32
    %dma_start3A_9 = arith.constant 0 : i32
    %dma_start3A_10 = tpu.memref_slice %arg6[%dma_start3A_6, %dma_start3A_8, %dma_start3A_9] : memref<2x256x64xf32, #tpu.memory_space<vmem>> -> memref<1x256x64xf32, #tpu.memory_space<vmem>>
    %dma_start3A_11 = tpu.memref_squeeze %dma_start3A_10 : memref<1x256x64xf32, #tpu.memory_space<vmem>> -> memref<256x64xf32, #tpu.memory_space<vmem>>
    %dma_start3A_12 = tpu.memref_slice %arg5[%dma_start3A, %mul3A_5] : memref<1x25600xi32, #tpu.memory_space<vmem>> -> memref<1x256xi32, #tpu.memory_space<vmem>>
    %dma_start3A_13 = tpu.memref_squeeze %dma_start3A_12 : memref<1x256xi32, #tpu.memory_space<vmem>> -> memref<256xi32, #tpu.memory_space<vmem>>
    %dma_start3A_14 = arith.constant 0 : i32
    %dma_start3A_15 = arith.constant 0 : i32
    %dma_start3A_16 = tpu.memref_slice %arg3[%dma_start3A_14, %dma_start3A_15] : memref<1000000x64xf32, #tpu.memory_space<hbm>> -> memref<1000000x64xf32, #tpu.memory_space<hbm>>
    %dma_start3A_17 = tpu.memref_slice %arg7[%dma_start3A_7] : memref<2x!tpu.dma_semaphore, #tpu.memory_space<semaphore_mem>> -> memref<1x!tpu.dma_semaphore, #tpu.memory_space<semaphore_mem>>
    %dma_start3A_18 = tpu.memref_squeeze %dma_start3A_17 : memref<1x!tpu.dma_semaphore, #tpu.memory_space<semaphore_mem>> -> memref<!tpu.dma_semaphore, #tpu.memory_space<semaphore_mem>>
    tpu.enqueue_indirect_dma source(%dma_start3A_16 : memref<1000000x64xf32, #tpu.memory_space<hbm>>) target(%dma_start3A_11 : memref<256x64xf32, #tpu.memory_space<vmem>>) offsets(%dma_start3A_13 : memref<256xi32, #tpu.memory_space<vmem>>) semaphore(%dma_start3A_18 : memref<!tpu.dma_semaphore, #tpu.memory_space<semaphore_mem>>)
    %mul3A_19 = arith.constant 1 : i32
    %mul3A_20 = arith.constant 256 : i32
    %mul3A_21 = arith.muli %mul3A_19, %mul3A_20 : i32
    %dma_start3A_22 = arith.constant 0 : i32
    %dma_start3A_23 = arith.constant 1 : i32
    %dma_start3A_24 = arith.constant 1 : i32
    %dma_start3A_25 = arith.constant 0 : i32
    %dma_start3A_26 = arith.constant 0 : i32
    %dma_start3A_27 = tpu.memref_slice %arg6[%dma_start3A_23, %dma_start3A_25, %dma_start3A_26] : memref<2x256x64xf32, #tpu.memory_space<vmem>> -> memref<1x256x64xf32, #tpu.memory_space<vmem>>
    %dma_start3A_28 = tpu.memref_squeeze %dma_start3A_27 : memref<1x256x64xf32, #tpu.memory_space<vmem>> -> memref<256x64xf32, #tpu.memory_space<vmem>>
    %dma_start3A_29 = tpu.memref_slice %arg5[%dma_start3A_22, %mul3A_21] : memref<1x25600xi32, #tpu.memory_space<vmem>> -> memref<1x256xi32, #tpu.memory_space<vmem>>
    %dma_start3A_30 = tpu.memref_squeeze %dma_start3A_29 : memref<1x256xi32, #tpu.memory_space<vmem>> -> memref<256xi32, #tpu.memory_space<vmem>>
    %dma_start3A_31 = arith.constant 0 : i32
    %dma_start3A_32 = arith.constant 0 : i32
    %dma_start3A_33 = tpu.memref_slice %arg3[%dma_start3A_31, %dma_start3A_32] : memref<1000000x64xf32, #tpu.memory_space<hbm>> -> memref<1000000x64xf32, #tpu.memory_space<hbm>>
    %dma_start3A_34 = tpu.memref_slice %arg7[%dma_start3A_24] : memref<2x!tpu.dma_semaphore, #tpu.memory_space<semaphore_mem>> -> memref<1x!tpu.dma_semaphore, #tpu.memory_space<semaphore_mem>>
    %dma_start3A_35 = tpu.memref_squeeze %dma_start3A_34 : memref<1x!tpu.dma_semaphore, #tpu.memory_space<semaphore_mem>> -> memref<!tpu.dma_semaphore, #tpu.memory_space<semaphore_mem>>
    tpu.enqueue_indirect_dma source(%dma_start3A_33 : memref<1000000x64xf32, #tpu.memory_space<hbm>>) target(%dma_start3A_28 : memref<256x64xf32, #tpu.memory_space<vmem>>) offsets(%dma_start3A_30 : memref<256xi32, #tpu.memory_space<vmem>>) semaphore(%dma_start3A_35 : memref<!tpu.dma_semaphore, #tpu.memory_space<semaphore_mem>>)
    %scan3A = arith.constant 0 : i32
    %scan3A_36 = arith.constant 50 : i32
    %scan3A_37 = arith.addi %scan3A, %scan3A_36 : i32
    %scan3A_38 = arith.constant 1 : i32
    scf.for %scan3A_40 = %scan3A to %scan3A_37 step %scan3A_38  : i32 {
      %mul3A_41 = arith.constant 2 : i32
      %mul3A_42 = arith.muli %scan3A_40, %mul3A_41 : i32
      %add3A_43 = arith.constant 0 : i32
      %add3A_44 = arith.addi %add3A_43, %mul3A_42 : i32
      %add3A_45 = arith.constant 0 : i32
      %add3A_46 = arith.addi %add3A_44, %add3A_45 : i32
      %dma_wait3A = arith.constant 0 : i32
      %dma_wait3A_47 = arith.constant 0 : i32
      %dma_wait3A_48 = arith.constant 0 : i32
      %dma_wait3A_49 = arith.constant 0 : i32
      %dma_wait3A_50 = tpu.memref_slice %arg6[%dma_wait3A, %dma_wait3A_48, %dma_wait3A_49] : memref<2x256x64xf32, #tpu.memory_space<vmem>> -> memref<1x256x64xf32, #tpu.memory_space<vmem>>
      %dma_wait3A_51 = tpu.memref_squeeze %dma_wait3A_50 : memref<1x256x64xf32, #tpu.memory_space<vmem>> -> memref<256x64xf32, #tpu.memory_space<vmem>>
      %dma_wait3A_52 = arith.constant 0 : i32
      %dma_wait3A_53 = arith.constant 0 : i32
      %dma_wait3A_54 = tpu.memref_slice %arg3[%dma_wait3A_52, %dma_wait3A_53] : memref<1000000x64xf32, #tpu.memory_space<hbm>> -> memref<256x64xf32, #tpu.memory_space<hbm>>
      %dma_wait3A_55 = tpu.memref_slice %arg7[%dma_wait3A_47] : memref<2x!tpu.dma_semaphore, #tpu.memory_space<semaphore_mem>> -> memref<1x!tpu.dma_semaphore, #tpu.memory_space<semaphore_mem>>
      %dma_wait3A_56 = tpu.memref_squeeze %dma_wait3A_55 : memref<1x!tpu.dma_semaphore, #tpu.memory_space<semaphore_mem>> -> memref<!tpu.dma_semaphore, #tpu.memory_space<semaphore_mem>>
      %dma_wait3A_57 = arith.constant 0 : i32
      %dma_wait3A_58 = arith.constant 0 : i32
      %dma_wait3A_59 = tpu.memref_slice %arg6[%dma_wait3A, %dma_wait3A_57, %dma_wait3A_58] : memref<2x256x64xf32, #tpu.memory_space<vmem>> -> memref<1x256x64xf32, #tpu.memory_space<vmem>>
      %dma_wait3A_60 = tpu.memref_squeeze %dma_wait3A_59 : memref<1x256x64xf32, #tpu.memory_space<vmem>> -> memref<256x64xf32, #tpu.memory_space<vmem>>
      %dma_wait3A_61 = arith.constant 0 : i32
      %dma_wait3A_62 = arith.constant 0 : i32
      %dma_wait3A_63 = tpu.memref_slice %arg3[%dma_wait3A_61, %dma_wait3A_62] : memref<1000000x64xf32, #tpu.memory_space<hbm>> -> memref<256x64xf32, #tpu.memory_space<hbm>>
      tpu.wait_dma2 semaphore(%dma_wait3A_56 : memref<!tpu.dma_semaphore, #tpu.memory_space<semaphore_mem>>) src(%dma_wait3A_63 : memref<256x64xf32, #tpu.memory_space<hbm>>) dst(%dma_wait3A_60 : memref<256x64xf32, #tpu.memory_space<vmem>>)
      %scan3A_64 = arith.constant 0 : i32
      %scan3A_65 = arith.constant 64 : i32
      %scan3A_66 = arith.addi %scan3A_64, %scan3A_65 : i32
      %scan3A_67 = arith.constant 1 : i32
      scf.for %scan3A_112 = %scan3A_64 to %scan3A_66 step %scan3A_67  : i32 {
        %mul3A_113 = arith.constant 4 : i32
        %mul3A_114 = arith.muli %scan3A_112, %mul3A_113 : i32
        %add3A_115 = arith.constant 0 : i32
        %add3A_116 = arith.addi %add3A_115, %mul3A_114 : i32
        %add3A_117 = arith.constant 0 : i32
        %add3A_118 = arith.addi %add3A_116, %add3A_117 : i32
        %get3A = arith.constant 0 : i32
        %get3A_119 = arith.index_cast %get3A : i32 to index
        %get3A_120 = arith.index_cast %add3A_118 : i32 to index
        %get3A_121 = arith.constant 0 : index
        %get3A_122 = tpu.vector_load %arg6[%get3A_119, %get3A_120, %get3A_121] {strides = array<i32>} : memref<2x256x64xf32, #tpu.memory_space<vmem>>, vector<1x1x16xf32>,
        %get3A_123 = vector.shape_cast %get3A_122 : vector<1x1x16xf32> to vector<16xf32>
        %mul3A_124 = arith.constant 8.000000e+00 : f32
        %mul3A_125 = vector.broadcast %mul3A_124 : f32 to vector<16xf32>
        %mul3A_126 = arith.mulf %get3A_123, %mul3A_125 : vector<16xf32>
        %add3A_127 = arith.constant 0 : i32
        %add3A_128 = arith.addi %add3A_116, %add3A_127 : i32
        %swap3A = arith.constant 0 : i32
        %swap3A_129 = arith.index_cast %swap3A : i32 to index
        %swap3A_130 = arith.index_cast %add3A_128 : i32 to index
        %swap3A_131 = arith.constant 0 : index
        %swap3A_132 = tpu.vector_load %arg6[%swap3A_129, %swap3A_130, %swap3A_131] {strides = array<i32>} : memref<2x256x64xf32, #tpu.memory_space<vmem>>, vector<1x1x16xf32>,
        %swap3A_133 = vector.shape_cast %swap3A_132 : vector<1x1x16xf32> to vector<16xf32>
        %swap3A_134 = vector.shape_cast %mul3A_126 : vector<16xf32> to vector<1x1x16xf32>
        tpu.vector_store %arg6[%swap3A_129, %swap3A_130, %swap3A_131], %swap3A_134 {strides = array<i32>} : memref<2x256x64xf32, #tpu.memory_space<vmem>>, vector<1x1x16xf32>,
        %add3A_135 = arith.constant 0 : i32
        %add3A_136 = arith.addi %add3A_116, %add3A_135 : i32
        %get3A_137 = arith.constant 0 : i32
        %get3A_138 = arith.index_cast %get3A_137 : i32 to index
        %get3A_139 = arith.index_cast %add3A_136 : i32 to index
        %get3A_140 = arith.constant 16 : index
        %get3A_141 = tpu.vector_load %arg6[%get3A_138, %get3A_139, %get3A_140] {strides = array<i32>} : memref<2x256x64xf32, #tpu.memory_space<vmem>>, vector<1x1x16xf32>,
        %get3A_142 = vector.shape_cast %get3A_141 : vector<1x1x16xf32> to vector<16xf32>
        %mul3A_143 = arith.constant 8.000000e+00 : f32
        %mul3A_144 = vector.broadcast %mul3A_143 : f32 to vector<16xf32>
        %mul3A_145 = arith.mulf %get3A_142, %mul3A_144 : vector<16xf32>
        %add3A_146 = arith.constant 0 : i32
        %add3A_147 = arith.addi %add3A_116, %add3A_146 : i32
        %swap3A_148 = arith.constant 0 : i32
        %swap3A_149 = arith.index_cast %swap3A_148 : i32 to index
        %swap3A_150 = arith.index_cast %add3A_147 : i32 to index
        %swap3A_151 = arith.constant 16 : index
        %swap3A_152 = tpu.vector_load %arg6[%swap3A_149, %swap3A_150, %swap3A_151] {strides = array<i32>} : memref<2x256x64xf32, #tpu.memory_space<vmem>>, vector<1x1x16xf32>,
        %swap3A_153 = vector.shape_cast %swap3A_152 : vector<1x1x16xf32> to vector<16xf32>
        %swap3A_154 = vector.shape_cast %mul3A_145 : vector<16xf32> to vector<1x1x16xf32>
        tpu.vector_store %arg6[%swap3A_149, %swap3A_150, %swap3A_151], %swap3A_154 {strides = array<i32>} : memref<2x256x64xf32, #tpu.memory_space<vmem>>, vector<1x1x16xf32>,
        %add3A_155 = arith.constant 0 : i32
        %add3A_156 = arith.addi %add3A_116, %add3A_155 : i32
        %get3A_157 = arith.constant 0 : i32
        %get3A_158 = arith.index_cast %get3A_157 : i32 to index
        %get3A_159 = arith.index_cast %add3A_156 : i32 to index
        %get3A_160 = arith.constant 32 : index
        %get3A_161 = tpu.vector_load %arg6[%get3A_158, %get3A_159, %get3A_160] {strides = array<i32>} : memref<2x256x64xf32, #tpu.memory_space<vmem>>, vector<1x1x16xf32>,
        %get3A_162 = vector.shape_cast %get3A_161 : vector<1x1x16xf32> to vector<16xf32>
        %mul3A_163 = arith.constant 8.000000e+00 : f32
        %mul3A_164 = vector.broadcast %mul3A_163 : f32 to vector<16xf32>
        %mul3A_165 = arith.mulf %get3A_162, %mul3A_164 : vector<16xf32>
        %add3A_166 = arith.constant 0 : i32
        %add3A_167 = arith.addi %add3A_116, %add3A_166 : i32
        %swap3A_168 = arith.constant 0 : i32
        %swap3A_169 = arith.index_cast %swap3A_168 : i32 to index
        %swap3A_170 = arith.index_cast %add3A_167 : i32 to index
        %swap3A_171 = arith.constant 32 : index
        %swap3A_172 = tpu.vector_load %arg6[%swap3A_169, %swap3A_170, %swap3A_171] {strides = array<i32>} : memref<2x256x64xf32, #tpu.memory_space<vmem>>, vector<1x1x16xf32>,
        %swap3A_173 = vector.shape_cast %swap3A_172 : vector<1x1x16xf32> to vector<16xf32>
        %swap3A_174 = vector.shape_cast %mul3A_165 : vector<16xf32> to vector<1x1x16xf32>
        tpu.vector_store %arg6[%swap3A_169, %swap3A_170, %swap3A_171], %swap3A_174 {strides = array<i32>} : memref<2x256x64xf32, #tpu.memory_space<vmem>>, vector<1x1x16xf32>,
        %add3A_175 = arith.constant 0 : i32
        %add3A_176 = arith.addi %add3A_116, %add3A_175 : i32
        %get3A_177 = arith.constant 0 : i32
        %get3A_178 = arith.index_cast %get3A_177 : i32 to index
        %get3A_179 = arith.index_cast %add3A_176 : i32 to index
        %get3A_180 = arith.constant 48 : index
        %get3A_181 = tpu.vector_load %arg6[%get3A_178, %get3A_179, %get3A_180] {strides = array<i32>} : memref<2x256x64xf32, #tpu.memory_space<vmem>>, vector<1x1x16xf32>,
        %get3A_182 = vector.shape_cast %get3A_181 : vector<1x1x16xf32> to vector<16xf32>
        %mul3A_183 = arith.constant 8.000000e+00 : f32
        %mul3A_184 = vector.broadcast %mul3A_183 : f32 to vector<16xf32>
        %mul3A_185 = arith.mulf %get3A_182, %mul3A_184 : vector<16xf32>
        %add3A_186 = arith.constant 0 : i32
        %add3A_187 = arith.addi %add3A_116, %add3A_186 : i32
        %swap3A_188 = arith.constant 0 : i32
        %swap3A_189 = arith.index_cast %swap3A_188 : i32 to index
        %swap3A_190 = arith.index_cast %add3A_187 : i32 to index
        %swap3A_191 = arith.constant 48 : index
        %swap3A_192 = tpu.vector_load %arg6[%swap3A_189, %swap3A_190, %swap3A_191] {strides = array<i32>} : memref<2x256x64xf32, #tpu.memory_space<vmem>>, vector<1x1x16xf32>,
        %swap3A_193 = vector.shape_cast %swap3A_192 : vector<1x1x16xf32> to vector<16xf32>
        %swap3A_194 = vector.shape_cast %mul3A_185 : vector<16xf32> to vector<1x1x16xf32>
        tpu.vector_store %arg6[%swap3A_189, %swap3A_190, %swap3A_191], %swap3A_194 {strides = array<i32>} : memref<2x256x64xf32, #tpu.memory_space<vmem>>, vector<1x1x16xf32>,
        %add3A_195 = arith.constant 1 : i32
        %add3A_196 = arith.addi %add3A_116, %add3A_195 : i32
        %get3A_197 = arith.constant 0 : i32
        %get3A_198 = arith.index_cast %get3A_197 : i32 to index
        %get3A_199 = arith.index_cast %add3A_196 : i32 to index
        %get3A_200 = arith.constant 0 : index
        %get3A_201 = tpu.vector_load %arg6[%get3A_198, %get3A_199, %get3A_200] {strides = array<i32>} : memref<2x256x64xf32, #tpu.memory_space<vmem>>, vector<1x1x16xf32>,
        %get3A_202 = vector.shape_cast %get3A_201 : vector<1x1x16xf32> to vector<16xf32>
        %mul3A_203 = arith.constant 8.000000e+00 : f32
        %mul3A_204 = vector.broadcast %mul3A_203 : f32 to vector<16xf32>
        %mul3A_205 = arith.mulf %get3A_202, %mul3A_204 : vector<16xf32>
        %add3A_206 = arith.constant 1 : i32
        %add3A_207 = arith.addi %add3A_116, %add3A_206 : i32
        %swap3A_208 = arith.constant 0 : i32
        %swap3A_209 = arith.index_cast %swap3A_208 : i32 to index
        %swap3A_210 = arith.index_cast %add3A_207 : i32 to index
        %swap3A_211 = arith.constant 0 : index
        %swap3A_212 = tpu.vector_load %arg6[%swap3A_209, %swap3A_210, %swap3A_211] {strides = array<i32>} : memref<2x256x64xf32, #tpu.memory_space<vmem>>, vector<1x1x16xf32>,
        %swap3A_213 = vector.shape_cast %swap3A_212 : vector<1x1x16xf32> to vector<16xf32>
        %swap3A_214 = vector.shape_cast %mul3A_205 : vector<16xf32> to vector<1x1x16xf32>
        tpu.vector_store %arg6[%swap3A_209, %swap3A_210, %swap3A_211], %swap3A_214 {strides = array<i32>} : memref<2x256x64xf32, #tpu.memory_space<vmem>>, vector<1x1x16xf32>,
        %add3A_215 = arith.constant 1 : i32
        %add3A_216 = arith.addi %add3A_116, %add3A_215 : i32
        %get3A_217 = arith.constant 0 : i32
        %get3A_218 = arith.index_cast %get3A_217 : i32 to index
        %get3A_219 = arith.index_cast %add3A_216 : i32 to index
        %get3A_220 = arith.constant 16 : index
        %get3A_221 = tpu.vector_load %arg6[%get3A_218, %get3A_219, %get3A_220] {strides = array<i32>} : memref<2x256x64xf32, #tpu.memory_space<vmem>>, vector<1x1x16xf32>,
        %get3A_222 = vector.shape_cast %get3A_221 : vector<1x1x16xf32> to vector<16xf32>
        %mul3A_223 = arith.constant 8.000000e+00 : f32
        %mul3A_224 = vector.broadcast %mul3A_223 : f32 to vector<16xf32>
        %mul3A_225 = arith.mulf %get3A_222, %mul3A_224 : vector<16xf32>
        %add3A_226 = arith.constant 1 : i32
        %add3A_227 = arith.addi %add3A_116, %add3A_226 : i32
        %swap3A_228 = arith.constant 0 : i32
        %swap3A_229 = arith.index_cast %swap3A_228 : i32 to index
        %swap3A_230 = arith.index_cast %add3A_227 : i32 to index
        %swap3A_231 = arith.constant 16 : index
        %swap3A_232 = tpu.vector_load %arg6[%swap3A_229, %swap3A_230, %swap3A_231] {strides = array<i32>} : memref<2x256x64xf32, #tpu.memory_space<vmem>>, vector<1x1x16xf32>,
        %swap3A_233 = vector.shape_cast %swap3A_232 : vector<1x1x16xf32> to vector<16xf32>
        %swap3A_234 = vector.shape_cast %mul3A_225 : vector<16xf32> to vector<1x1x16xf32>
        tpu.vector_store %arg6[%swap3A_229, %swap3A_230, %swap3A_231], %swap3A_234 {strides = array<i32>} : memref<2x256x64xf32, #tpu.memory_space<vmem>>, vector<1x1x16xf32>,
        %add3A_235 = arith.constant 1 : i32
        %add3A_236 = arith.addi %add3A_116, %add3A_235 : i32
        %get3A_237 = arith.constant 0 : i32
        %get3A_238 = arith.index_cast %get3A_237 : i32 to index
        %get3A_239 = arith.index_cast %add3A_236 : i32 to index
        %get3A_240 = arith.constant 32 : index
        %get3A_241 = tpu.vector_load %arg6[%get3A_238, %get3A_239, %get3A_240] {strides = array<i32>} : memref<2x256x64xf32, #tpu.memory_space<vmem>>, vector<1x1x16xf32>,
        %get3A_242 = vector.shape_cast %get3A_241 : vector<1x1x16xf32> to vector<16xf32>
        %mul3A_243 = arith.constant 8.000000e+00 : f32
        %mul3A_244 = vector.broadcast %mul3A_243 : f32 to vector<16xf32>
        %mul3A_245 = arith.mulf %get3A_242, %mul3A_244 : vector<16xf32>
        %add3A_246 = arith.constant 1 : i32
        %add3A_247 = arith.addi %add3A_116, %add3A_246 : i32
        %swap3A_248 = arith.constant 0 : i32
        %swap3A_249 = arith.index_cast %swap3A_248 : i32 to index
        %swap3A_250 = arith.index_cast %add3A_247 : i32 to index
        %swap3A_251 = arith.constant 32 : index
        %swap3A_252 = tpu.vector_load %arg6[%swap3A_249, %swap3A_250, %swap3A_251] {strides = array<i32>} : memref<2x256x64xf32, #tpu.memory_space<vmem>>, vector<1x1x16xf32>,
        %swap3A_253 = vector.shape_cast %swap3A_252 : vector<1x1x16xf32> to vector<16xf32>
        %swap3A_254 = vector.shape_cast %mul3A_245 : vector<16xf32> to vector<1x1x16xf32>
        tpu.vector_store %arg6[%swap3A_249, %swap3A_250, %swap3A_251], %swap3A_254 {strides = array<i32>} : memref<2x256x64xf32, #tpu.memory_space<vmem>>, vector<1x1x16xf32>,
        %add3A_255 = arith.constant 1 : i32
        %add3A_256 = arith.addi %add3A_116, %add3A_255 : i32
        %get3A_257 = arith.constant 0 : i32
        %get3A_258 = arith.index_cast %get3A_257 : i32 to index
        %get3A_259 = arith.index_cast %add3A_256 : i32 to index
        %get3A_260 = arith.constant 48 : index
        %get3A_261 = tpu.vector_load %arg6[%get3A_258, %get3A_259, %get3A_260] {strides = array<i32>} : memref<2x256x64xf32, #tpu.memory_space<vmem>>, vector<1x1x16xf32>,
        %get3A_262 = vector.shape_cast %get3A_261 : vector<1x1x16xf32> to vector<16xf32>
        %mul3A_263 = arith.constant 8.000000e+00 : f32
        %mul3A_264 = vector.broadcast %mul3A_263 : f32 to vector<16xf32>
        %mul3A_265 = arith.mulf %get3A_262, %mul3A_264 : vector<16xf32>
        %add3A_266 = arith.constant 1 : i32
        %add3A_267 = arith.addi %add3A_116, %add3A_266 : i32
        %swap3A_268 = arith.constant 0 : i32
        %swap3A_269 = arith.index_cast %swap3A_268 : i32 to index
        %swap3A_270 = arith.index_cast %add3A_267 : i32 to index
        %swap3A_271 = arith.constant 48 : index
        %swap3A_272 = tpu.vector_load %arg6[%swap3A_269, %swap3A_270, %swap3A_271] {strides = array<i32>} : memref<2x256x64xf32, #tpu.memory_space<vmem>>, vector<1x1x16xf32>,
        %swap3A_273 = vector.shape_cast %swap3A_272 : vector<1x1x16xf32> to vector<16xf32>
        %swap3A_274 = vector.shape_cast %mul3A_265 : vector<16xf32> to vector<1x1x16xf32>
        tpu.vector_store %arg6[%swap3A_269, %swap3A_270, %swap3A_271], %swap3A_274 {strides = array<i32>} : memref<2x256x64xf32, #tpu.memory_space<vmem>>, vector<1x1x16xf32>,
        %add3A_275 = arith.constant 2 : i32
        %add3A_276 = arith.addi %add3A_116, %add3A_275 : i32
        %get3A_277 = arith.constant 0 : i32
        %get3A_278 = arith.index_cast %get3A_277 : i32 to index
        %get3A_279 = arith.index_cast %add3A_276 : i32 to index
        %get3A_280 = arith.constant 0 : index
        %get3A_281 = tpu.vector_load %arg6[%get3A_278, %get3A_279, %get3A_280] {strides = array<i32>} : memref<2x256x64xf32, #tpu.memory_space<vmem>>, vector<1x1x16xf32>,
        %get3A_282 = vector.shape_cast %get3A_281 : vector<1x1x16xf32> to vector<16xf32>
        %mul3A_283 = arith.constant 8.000000e+00 : f32
        %mul3A_284 = vector.broadcast %mul3A_283 : f32 to vector<16xf32>
        %mul3A_285 = arith.mulf %get3A_282, %mul3A_284 : vector<16xf32>
        %add3A_286 = arith.constant 2 : i32
        %add3A_287 = arith.addi %add3A_116, %add3A_286 : i32
        %swap3A_288 = arith.constant 0 : i32
        %swap3A_289 = arith.index_cast %swap3A_288 : i32 to index
        %swap3A_290 = arith.index_cast %add3A_287 : i32 to index
        %swap3A_291 = arith.constant 0 : index
        %swap3A_292 = tpu.vector_load %arg6[%swap3A_289, %swap3A_290, %swap3A_291] {strides = array<i32>} : memref<2x256x64xf32, #tpu.memory_space<vmem>>, vector<1x1x16xf32>,
        %swap3A_293 = vector.shape_cast %swap3A_292 : vector<1x1x16xf32> to vector<16xf32>
        %swap3A_294 = vector.shape_cast %mul3A_285 : vector<16xf32> to vector<1x1x16xf32>
        tpu.vector_store %arg6[%swap3A_289, %swap3A_290, %swap3A_291], %swap3A_294 {strides = array<i32>} : memref<2x256x64xf32, #tpu.memory_space<vmem>>, vector<1x1x16xf32>,
        %add3A_295 = arith.constant 2 : i32
        %add3A_296 = arith.addi %add3A_116, %add3A_295 : i32
        %get3A_297 = arith.constant 0 : i32
        %get3A_298 = arith.index_cast %get3A_297 : i32 to index
        %get3A_299 = arith.index_cast %add3A_296 : i32 to index
        %get3A_300 = arith.constant 16 : index
        %get3A_301 = tpu.vector_load %arg6[%get3A_298, %get3A_299, %get3A_300] {strides = array<i32>} : memref<2x256x64xf32, #tpu.memory_space<vmem>>, vector<1x1x16xf32>,
        %get3A_302 = vector.shape_cast %get3A_301 : vector<1x1x16xf32> to vector<16xf32>
        %mul3A_303 = arith.constant 8.000000e+00 : f32
        %mul3A_304 = vector.broadcast %mul3A_303 : f32 to vector<16xf32>
        %mul3A_305 = arith.mulf %get3A_302, %mul3A_304 : vector<16xf32>
        %add3A_306 = arith.constant 2 : i32
        %add3A_307 = arith.addi %add3A_116, %add3A_306 : i32
        %swap3A_308 = arith.constant 0 : i32
        %swap3A_309 = arith.index_cast %swap3A_308 : i32 to index
        %swap3A_310 = arith.index_cast %add3A_307 : i32 to index
        %swap3A_311 = arith.constant 16 : index
        %swap3A_312 = tpu.vector_load %arg6[%swap3A_309, %swap3A_310, %swap3A_311] {strides = array<i32>} : memref<2x256x64xf32, #tpu.memory_space<vmem>>, vector<1x1x16xf32>,
        %swap3A_313 = vector.shape_cast %swap3A_312 : vector<1x1x16xf32> to vector<16xf32>
        %swap3A_314 = vector.shape_cast %mul3A_305 : vector<16xf32> to vector<1x1x16xf32>
        tpu.vector_store %arg6[%swap3A_309, %swap3A_310, %swap3A_311], %swap3A_314 {strides = array<i32>} : memref<2x256x64xf32, #tpu.memory_space<vmem>>, vector<1x1x16xf32>,
        %add3A_315 = arith.constant 2 : i32
        %add3A_316 = arith.addi %add3A_116, %add3A_315 : i32
        %get3A_317 = arith.constant 0 : i32
        %get3A_318 = arith.index_cast %get3A_317 : i32 to index
        %get3A_319 = arith.index_cast %add3A_316 : i32 to index
        %get3A_320 = arith.constant 32 : index
        %get3A_321 = tpu.vector_load %arg6[%get3A_318, %get3A_319, %get3A_320] {strides = array<i32>} : memref<2x256x64xf32, #tpu.memory_space<vmem>>, vector<1x1x16xf32>,
        %get3A_322 = vector.shape_cast %get3A_321 : vector<1x1x16xf32> to vector<16xf32>
        %mul3A_323 = arith.constant 8.000000e+00 : f32
        %mul3A_324 = vector.broadcast %mul3A_323 : f32 to vector<16xf32>
        %mul3A_325 = arith.mulf %get3A_322, %mul3A_324 : vector<16xf32>
        %add3A_326 = arith.constant 2 : i32
        %add3A_327 = arith.addi %add3A_116, %add3A_326 : i32
        %swap3A_328 = arith.constant 0 : i32
        %swap3A_329 = arith.index_cast %swap3A_328 : i32 to index
        %swap3A_330 = arith.index_cast %add3A_327 : i32 to index
        %swap3A_331 = arith.constant 32 : index
        %swap3A_332 = tpu.vector_load %arg6[%swap3A_329, %swap3A_330, %swap3A_331] {strides = array<i32>} : memref<2x256x64xf32, #tpu.memory_space<vmem>>, vector<1x1x16xf32>,
        %swap3A_333 = vector.shape_cast %swap3A_332 : vector<1x1x16xf32> to vector<16xf32>
        %swap3A_334 = vector.shape_cast %mul3A_325 : vector<16xf32> to vector<1x1x16xf32>
        tpu.vector_store %arg6[%swap3A_329, %swap3A_330, %swap3A_331], %swap3A_334 {strides = array<i32>} : memref<2x256x64xf32, #tpu.memory_space<vmem>>, vector<1x1x16xf32>,
        %add3A_335 = arith.constant 2 : i32
        %add3A_336 = arith.addi %add3A_116, %add3A_335 : i32
        %get3A_337 = arith.constant 0 : i32
        %get3A_338 = arith.index_cast %get3A_337 : i32 to index
        %get3A_339 = arith.index_cast %add3A_336 : i32 to index
        %get3A_340 = arith.constant 48 : index
        %get3A_341 = tpu.vector_load %arg6[%get3A_338, %get3A_339, %get3A_340] {strides = array<i32>} : memref<2x256x64xf32, #tpu.memory_space<vmem>>, vector<1x1x16xf32>,
        %get3A_342 = vector.shape_cast %get3A_341 : vector<1x1x16xf32> to vector<16xf32>
        %mul3A_343 = arith.constant 8.000000e+00 : f32
        %mul3A_344 = vector.broadcast %mul3A_343 : f32 to vector<16xf32>
        %mul3A_345 = arith.mulf %get3A_342, %mul3A_344 : vector<16xf32>
        %add3A_346 = arith.constant 2 : i32
        %add3A_347 = arith.addi %add3A_116, %add3A_346 : i32
        %swap3A_348 = arith.constant 0 : i32
        %swap3A_349 = arith.index_cast %swap3A_348 : i32 to index
        %swap3A_350 = arith.index_cast %add3A_347 : i32 to index
        %swap3A_351 = arith.constant 48 : index
        %swap3A_352 = tpu.vector_load %arg6[%swap3A_349, %swap3A_350, %swap3A_351] {strides = array<i32>} : memref<2x256x64xf32, #tpu.memory_space<vmem>>, vector<1x1x16xf32>,
        %swap3A_353 = vector.shape_cast %swap3A_352 : vector<1x1x16xf32> to vector<16xf32>
        %swap3A_354 = vector.shape_cast %mul3A_345 : vector<16xf32> to vector<1x1x16xf32>
        tpu.vector_store %arg6[%swap3A_349, %swap3A_350, %swap3A_351], %swap3A_354 {strides = array<i32>} : memref<2x256x64xf32, #tpu.memory_space<vmem>>, vector<1x1x16xf32>,
        %add3A_355 = arith.constant 3 : i32
        %add3A_356 = arith.addi %add3A_116, %add3A_355 : i32
        %get3A_357 = arith.constant 0 : i32
        %get3A_358 = arith.index_cast %get3A_357 : i32 to index
        %get3A_359 = arith.index_cast %add3A_356 : i32 to index
        %get3A_360 = arith.constant 0 : index
        %get3A_361 = tpu.vector_load %arg6[%get3A_358, %get3A_359, %get3A_360] {strides = array<i32>} : memref<2x256x64xf32, #tpu.memory_space<vmem>>, vector<1x1x16xf32>,
        %get3A_362 = vector.shape_cast %get3A_361 : vector<1x1x16xf32> to vector<16xf32>
        %mul3A_363 = arith.constant 8.000000e+00 : f32
        %mul3A_364 = vector.broadcast %mul3A_363 : f32 to vector<16xf32>
        %mul3A_365 = arith.mulf %get3A_362, %mul3A_364 : vector<16xf32>
        %add3A_366 = arith.constant 3 : i32
        %add3A_367 = arith.addi %add3A_116, %add3A_366 : i32
        %swap3A_368 = arith.constant 0 : i32
        %swap3A_369 = arith.index_cast %swap3A_368 : i32 to index
        %swap3A_370 = arith.index_cast %add3A_367 : i32 to index
        %swap3A_371 = arith.constant 0 : index
        %swap3A_372 = tpu.vector_load %arg6[%swap3A_369, %swap3A_370, %swap3A_371] {strides = array<i32>} : memref<2x256x64xf32, #tpu.memory_space<vmem>>, vector<1x1x16xf32>,
        %swap3A_373 = vector.shape_cast %swap3A_372 : vector<1x1x16xf32> to vector<16xf32>
        %swap3A_374 = vector.shape_cast %mul3A_365 : vector<16xf32> to vector<1x1x16xf32>
        tpu.vector_store %arg6[%swap3A_369, %swap3A_370, %swap3A_371], %swap3A_374 {strides = array<i32>} : memref<2x256x64xf32, #tpu.memory_space<vmem>>, vector<1x1x16xf32>,
        %add3A_375 = arith.constant 3 : i32
        %add3A_376 = arith.addi %add3A_116, %add3A_375 : i32
        %get3A_377 = arith.constant 0 : i32
        %get3A_378 = arith.index_cast %get3A_377 : i32 to index
        %get3A_379 = arith.index_cast %add3A_376 : i32 to index
        %get3A_380 = arith.constant 16 : index
        %get3A_381 = tpu.vector_load %arg6[%get3A_378, %get3A_379, %get3A_380] {strides = array<i32>} : memref<2x256x64xf32, #tpu.memory_space<vmem>>, vector<1x1x16xf32>,
        %get3A_382 = vector.shape_cast %get3A_381 : vector<1x1x16xf32> to vector<16xf32>
        %mul3A_383 = arith.constant 8.000000e+00 : f32
        %mul3A_384 = vector.broadcast %mul3A_383 : f32 to vector<16xf32>
        %mul3A_385 = arith.mulf %get3A_382, %mul3A_384 : vector<16xf32>
        %add3A_386 = arith.constant 3 : i32
        %add3A_387 = arith.addi %add3A_116, %add3A_386 : i32
        %swap3A_388 = arith.constant 0 : i32
        %swap3A_389 = arith.index_cast %swap3A_388 : i32 to index
        %swap3A_390 = arith.index_cast %add3A_387 : i32 to index
        %swap3A_391 = arith.constant 16 : index
        %swap3A_392 = tpu.vector_load %arg6[%swap3A_389, %swap3A_390, %swap3A_391] {strides = array<i32>} : memref<2x256x64xf32, #tpu.memory_space<vmem>>, vector<1x1x16xf32>,
        %swap3A_393 = vector.shape_cast %swap3A_392 : vector<1x1x16xf32> to vector<16xf32>
        %swap3A_394 = vector.shape_cast %mul3A_385 : vector<16xf32> to vector<1x1x16xf32>
        tpu.vector_store %arg6[%swap3A_389, %swap3A_390, %swap3A_391], %swap3A_394 {strides = array<i32>} : memref<2x256x64xf32, #tpu.memory_space<vmem>>, vector<1x1x16xf32>,
        %add3A_395 = arith.constant 3 : i32
        %add3A_396 = arith.addi %add3A_116, %add3A_395 : i32
        %get3A_397 = arith.constant 0 : i32
        %get3A_398 = arith.index_cast %get3A_397 : i32 to index
        %get3A_399 = arith.index_cast %add3A_396 : i32 to index
        %get3A_400 = arith.constant 32 : index
        %get3A_401 = tpu.vector_load %arg6[%get3A_398, %get3A_399, %get3A_400] {strides = array<i32>} : memref<2x256x64xf32, #tpu.memory_space<vmem>>, vector<1x1x16xf32>,
        %get3A_402 = vector.shape_cast %get3A_401 : vector<1x1x16xf32> to vector<16xf32>
        %mul3A_403 = arith.constant 8.000000e+00 : f32
        %mul3A_404 = vector.broadcast %mul3A_403 : f32 to vector<16xf32>
        %mul3A_405 = arith.mulf %get3A_402, %mul3A_404 : vector<16xf32>
        %add3A_406 = arith.constant 3 : i32
        %add3A_407 = arith.addi %add3A_116, %add3A_406 : i32
        %swap3A_408 = arith.constant 0 : i32
        %swap3A_409 = arith.index_cast %swap3A_408 : i32 to index
        %swap3A_410 = arith.index_cast %add3A_407 : i32 to index
        %swap3A_411 = arith.constant 32 : index
        %swap3A_412 = tpu.vector_load %arg6[%swap3A_409, %swap3A_410, %swap3A_411] {strides = array<i32>} : memref<2x256x64xf32, #tpu.memory_space<vmem>>, vector<1x1x16xf32>,
        %swap3A_413 = vector.shape_cast %swap3A_412 : vector<1x1x16xf32> to vector<16xf32>
        %swap3A_414 = vector.shape_cast %mul3A_405 : vector<16xf32> to vector<1x1x16xf32>
        tpu.vector_store %arg6[%swap3A_409, %swap3A_410, %swap3A_411], %swap3A_414 {strides = array<i32>} : memref<2x256x64xf32, #tpu.memory_space<vmem>>, vector<1x1x16xf32>,
        %add3A_415 = arith.constant 3 : i32
        %add3A_416 = arith.addi %add3A_116, %add3A_415 : i32
        %get3A_417 = arith.constant 0 : i32
        %get3A_418 = arith.index_cast %get3A_417 : i32 to index
        %get3A_419 = arith.index_cast %add3A_416 : i32 to index
        %get3A_420 = arith.constant 48 : index
        %get3A_421 = tpu.vector_load %arg6[%get3A_418, %get3A_419, %get3A_420] {strides = array<i32>} : memref<2x256x64xf32, #tpu.memory_space<vmem>>, vector<1x1x16xf32>,
        %get3A_422 = vector.shape_cast %get3A_421 : vector<1x1x16xf32> to vector<16xf32>
        %mul3A_423 = arith.constant 8.000000e+00 : f32
        %mul3A_424 = vector.broadcast %mul3A_423 : f32 to vector<16xf32>
        %mul3A_425 = arith.mulf %get3A_422, %mul3A_424 : vector<16xf32>
        %add3A_426 = arith.constant 3 : i32
        %add3A_427 = arith.addi %add3A_116, %add3A_426 : i32
        %swap3A_428 = arith.constant 0 : i32
        %swap3A_429 = arith.index_cast %swap3A_428 : i32 to index
        %swap3A_430 = arith.index_cast %add3A_427 : i32 to index
        %swap3A_431 = arith.constant 48 : index
        %swap3A_432 = tpu.vector_load %arg6[%swap3A_429, %swap3A_430, %swap3A_431] {strides = array<i32>} : memref<2x256x64xf32, #tpu.memory_space<vmem>>, vector<1x1x16xf32>,
        %swap3A_433 = vector.shape_cast %swap3A_432 : vector<1x1x16xf32> to vector<16xf32>
        %swap3A_434 = vector.shape_cast %mul3A_425 : vector<16xf32> to vector<1x1x16xf32>
        tpu.vector_store %arg6[%swap3A_429, %swap3A_430, %swap3A_431], %swap3A_434 {strides = array<i32>} : memref<2x256x64xf32, #tpu.memory_space<vmem>>, vector<1x1x16xf32>,
      }
      %scan3A_68 = arith.constant 64 : i32
      %mul3A_69 = arith.constant 256 : i32
      %mul3A_70 = arith.muli %add3A_46, %mul3A_69 : i32
      %add3A_71 = arith.addi %mul3A_2, %mul3A_70 : i32
      %run_scoped3A = arith.constant 0 : i32
      "tpu.region"() ({
        %run_scoped3A_112 = tpu.sem_alloc : memref<!tpu.dma_semaphore, #tpu.memory_space<semaphore_mem>>
        %dma_start3A_113 = arith.constant 0 : i32
        %dma_start3A_114 = arith.constant 0 : i32
        %dma_start3A_115 = tpu.memref_slice %arg6[%run_scoped3A, %dma_start3A_113, %dma_start3A_114] : memref<2x256x64xf32, #tpu.memory_space<vmem>> -> memref<1x256x64xf32, #tpu.memory_space<vmem>>
        %dma_start3A_116 = tpu.memref_squeeze %dma_start3A_115 : memref<1x256x64xf32, #tpu.memory_space<vmem>> -> memref<256x64xf32, #tpu.memory_space<vmem>>
        %dma_start3A_117 = arith.constant 0 : i32
        %dma_start3A_118 = tpu.memref_slice %arg4[%add3A_71, %dma_start3A_117] : memref<819200x64xf32, #tpu.memory_space<hbm>> -> memref<256x64xf32, #tpu.memory_space<hbm>>
        %dma_start3A_119 = arith.constant 0 : i32
        %dma_start3A_120 = tpu.memref_slice %arg4[%add3A_71, %dma_start3A_119] : memref<819200x64xf32, #tpu.memory_space<hbm>> -> memref<256x64xf32, #tpu.memory_space<hbm>>
        %dma_start3A_121 = arith.constant 0 : i32
        %dma_start3A_122 = arith.constant 0 : i32
        %dma_start3A_123 = tpu.memref_slice %arg6[%run_scoped3A, %dma_start3A_121, %dma_start3A_122] : memref<2x256x64xf32, #tpu.memory_space<vmem>> -> memref<1x256x64xf32, #tpu.memory_space<vmem>>
        %dma_start3A_124 = tpu.memref_squeeze %dma_start3A_123 : memref<1x256x64xf32, #tpu.memory_space<vmem>> -> memref<256x64xf32, #tpu.memory_space<vmem>>
        tpu.enqueue_dma source(%dma_start3A_124 : memref<256x64xf32, #tpu.memory_space<vmem>>) target(%dma_start3A_120 : memref<256x64xf32, #tpu.memory_space<hbm>>) target_semaphore(%run_scoped3A_112 : memref<!tpu.dma_semaphore, #tpu.memory_space<semaphore_mem>>)
        %dma_wait3A_125 = arith.constant 0 : i32
        %dma_wait3A_126 = arith.constant 0 : i32
        %dma_wait3A_127 = tpu.memref_slice %arg6[%run_scoped3A, %dma_wait3A_125, %dma_wait3A_126] : memref<2x256x64xf32, #tpu.memory_space<vmem>> -> memref<1x256x64xf32, #tpu.memory_space<vmem>>
        %dma_wait3A_128 = tpu.memref_squeeze %dma_wait3A_127 : memref<1x256x64xf32, #tpu.memory_space<vmem>> -> memref<256x64xf32, #tpu.memory_space<vmem>>
        %dma_wait3A_129 = arith.constant 0 : i32
        %dma_wait3A_130 = tpu.memref_slice %arg4[%add3A_71, %dma_wait3A_129] : memref<819200x64xf32, #tpu.memory_space<hbm>> -> memref<256x64xf32, #tpu.memory_space<hbm>>
        %dma_wait3A_131 = arith.constant 0 : i32
        %dma_wait3A_132 = tpu.memref_slice %arg4[%add3A_71, %dma_wait3A_131] : memref<819200x64xf32, #tpu.memory_space<hbm>> -> memref<256x64xf32, #tpu.memory_space<hbm>>
        %dma_wait3A_133 = arith.constant 0 : i32
        %dma_wait3A_134 = arith.constant 0 : i32
        %dma_wait3A_135 = tpu.memref_slice %arg6[%run_scoped3A, %dma_wait3A_133, %dma_wait3A_134] : memref<2x256x64xf32, #tpu.memory_space<vmem>> -> memref<1x256x64xf32, #tpu.memory_space<vmem>>
        %dma_wait3A_136 = tpu.memref_squeeze %dma_wait3A_135 : memref<1x256x64xf32, #tpu.memory_space<vmem>> -> memref<256x64xf32, #tpu.memory_space<vmem>>
        tpu.wait_dma2 semaphore(%run_scoped3A_112 : memref<!tpu.dma_semaphore, #tpu.memory_space<semaphore_mem>>) src(%dma_wait3A_136 : memref<256x64xf32, #tpu.memory_space<vmem>>) dst(%dma_wait3A_132 : memref<256x64xf32, #tpu.memory_space<hbm>>)
        tpu.yield
      }) : () -> ()
      %add3A_72 = arith.constant 2 : i32
      %add3A_73 = arith.addi %add3A_46, %add3A_72 : i32
      %lt3A = arith.constant 100 : i32
      %lt3A_74 = arith.cmpi slt, %add3A_73, %lt3A : i32
      %convert_element_type3A = arith.extui %lt3A_74 : i1 to i32
      %cond3A = arith.constant 0 : i32
      %cond3A_75 = arith.cmpi ne, %convert_element_type3A, %cond3A : i32
      scf.if %cond3A_75 {
        %add3A_112 = arith.constant 2 : i32
        %add3A_113 = arith.addi %add3A_46, %add3A_112 : i32
        %mul3A_114 = arith.constant 256 : i32
        %mul3A_115 = arith.muli %add3A_113, %mul3A_114 : i32
        %dma_start3A_116 = arith.constant 0 : i32
        %dma_start3A_117 = arith.constant 0 : i32
        %dma_start3A_118 = arith.constant 0 : i32
        %dma_start3A_119 = arith.constant 0 : i32
        %dma_start3A_120 = arith.constant 0 : i32
        %dma_start3A_121 = tpu.memref_slice %arg6[%dma_start3A_117, %dma_start3A_119, %dma_start3A_120] : memref<2x256x64xf32, #tpu.memory_space<vmem>> -> memref<1x256x64xf32, #tpu.memory_space<vmem>>
        %dma_start3A_122 = tpu.memref_squeeze %dma_start3A_121 : memref<1x256x64xf32, #tpu.memory_space<vmem>> -> memref<256x64xf32, #tpu.memory_space<vmem>>
        %dma_start3A_123 = tpu.memref_slice %arg5[%dma_start3A_116, %mul3A_115] : memref<1x25600xi32, #tpu.memory_space<vmem>> -> memref<1x256xi32, #tpu.memory_space<vmem>>
        %dma_start3A_124 = tpu.memref_squeeze %dma_start3A_123 : memref<1x256xi32, #tpu.memory_space<vmem>> -> memref<256xi32, #tpu.memory_space<vmem>>
        %dma_start3A_125 = arith.constant 0 : i32
        %dma_start3A_126 = arith.constant 0 : i32
        %dma_start3A_127 = tpu.memref_slice %arg3[%dma_start3A_125, %dma_start3A_126] : memref<1000000x64xf32, #tpu.memory_space<hbm>> -> memref<1000000x64xf32, #tpu.memory_space<hbm>>
        %dma_start3A_128 = tpu.memref_slice %arg7[%dma_start3A_118] : memref<2x!tpu.dma_semaphore, #tpu.memory_space<semaphore_mem>> -> memref<1x!tpu.dma_semaphore, #tpu.memory_space<semaphore_mem>>
        %dma_start3A_129 = tpu.memref_squeeze %dma_start3A_128 : memref<1x!tpu.dma_semaphore, #tpu.memory_space<semaphore_mem>> -> memref<!tpu.dma_semaphore, #tpu.memory_space<semaphore_mem>>
        tpu.enqueue_indirect_dma source(%dma_start3A_127 : memref<1000000x64xf32, #tpu.memory_space<hbm>>) target(%dma_start3A_122 : memref<256x64xf32, #tpu.memory_space<vmem>>) offsets(%dma_start3A_124 : memref<256xi32, #tpu.memory_space<vmem>>) semaphore(%dma_start3A_129 : memref<!tpu.dma_semaphore, #tpu.memory_space<semaphore_mem>>)
      } else {
      }
      %add3A_76 = arith.constant 1 : i32
      %add3A_77 = arith.addi %add3A_44, %add3A_76 : i32
      %dma_wait3A_78 = arith.constant 1 : i32
      %dma_wait3A_79 = arith.constant 1 : i32
      %dma_wait3A_80 = arith.constant 0 : i32
      %dma_wait3A_81 = arith.constant 0 : i32
      %dma_wait3A_82 = tpu.memref_slice %arg6[%dma_wait3A_78, %dma_wait3A_80, %dma_wait3A_81] : memref<2x256x64xf32, #tpu.memory_space<vmem>> -> memref<1x256x64xf32, #tpu.memory_space<vmem>>
      %dma_wait3A_83 = tpu.memref_squeeze %dma_wait3A_82 : memref<1x256x64xf32, #tpu.memory_space<vmem>> -> memref<256x64xf32, #tpu.memory_space<vmem>>
      %dma_wait3A_84 = arith.constant 0 : i32
      %dma_wait3A_85 = arith.constant 0 : i32
      %dma_wait3A_86 = tpu.memref_slice %arg3[%dma_wait3A_84, %dma_wait3A_85] : memref<1000000x64xf32, #tpu.memory_space<hbm>> -> memref<256x64xf32, #tpu.memory_space<hbm>>
      %dma_wait3A_87 = tpu.memref_slice %arg7[%dma_wait3A_79] : memref<2x!tpu.dma_semaphore, #tpu.memory_space<semaphore_mem>> -> memref<1x!tpu.dma_semaphore, #tpu.memory_space<semaphore_mem>>
      %dma_wait3A_88 = tpu.memref_squeeze %dma_wait3A_87 : memref<1x!tpu.dma_semaphore, #tpu.memory_space<semaphore_mem>> -> memref<!tpu.dma_semaphore, #tpu.memory_space<semaphore_mem>>
      %dma_wait3A_89 = arith.constant 0 : i32
      %dma_wait3A_90 = arith.constant 0 : i32
      %dma_wait3A_91 = tpu.memref_slice %arg6[%dma_wait3A_78, %dma_wait3A_89, %dma_wait3A_90] : memref<2x256x64xf32, #tpu.memory_space<vmem>> -> memref<1x256x64xf32, #tpu.memory_space<vmem>>
      %dma_wait3A_92 = tpu.memref_squeeze %dma_wait3A_91 : memref<1x256x64xf32, #tpu.memory_space<vmem>> -> memref<256x64xf32, #tpu.memory_space<vmem>>
      %dma_wait3A_93 = arith.constant 0 : i32
      %dma_wait3A_94 = arith.constant 0 : i32
      %dma_wait3A_95 = tpu.memref_slice %arg3[%dma_wait3A_93, %dma_wait3A_94] : memref<1000000x64xf32, #tpu.memory_space<hbm>> -> memref<256x64xf32, #tpu.memory_space<hbm>>
      tpu.wait_dma2 semaphore(%dma_wait3A_88 : memref<!tpu.dma_semaphore, #tpu.memory_space<semaphore_mem>>) src(%dma_wait3A_95 : memref<256x64xf32, #tpu.memory_space<hbm>>) dst(%dma_wait3A_92 : memref<256x64xf32, #tpu.memory_space<vmem>>)
      %scan3A_96 = arith.constant 0 : i32
      %scan3A_97 = arith.constant 64 : i32
      %scan3A_98 = arith.addi %scan3A_96, %scan3A_97 : i32
      %scan3A_99 = arith.constant 1 : i32
      scf.for %scan3A_112 = %scan3A_96 to %scan3A_98 step %scan3A_99  : i32 {
        %mul3A_113 = arith.constant 4 : i32
        %mul3A_114 = arith.muli %scan3A_112, %mul3A_113 : i32
        %add3A_115 = arith.constant 0 : i32
        %add3A_116 = arith.addi %add3A_115, %mul3A_114 : i32
        %add3A_117 = arith.constant 0 : i32
        %add3A_118 = arith.addi %add3A_116, %add3A_117 : i32
        %get3A = arith.constant 1 : i32
        %get3A_119 = arith.index_cast %get3A : i32 to index
        %get3A_120 = arith.index_cast %add3A_118 : i32 to index
        %get3A_121 = arith.constant 0 : index
        %get3A_122 = tpu.vector_load %arg6[%get3A_119, %get3A_120, %get3A_121] {strides = array<i32>} : memref<2x256x64xf32, #tpu.memory_space<vmem>>, vector<1x1x16xf32>,
        %get3A_123 = vector.shape_cast %get3A_122 : vector<1x1x16xf32> to vector<16xf32>
        %mul3A_124 = arith.constant 8.000000e+00 : f32
        %mul3A_125 = vector.broadcast %mul3A_124 : f32 to vector<16xf32>
        %mul3A_126 = arith.mulf %get3A_123, %mul3A_125 : vector<16xf32>
        %add3A_127 = arith.constant 0 : i32
        %add3A_128 = arith.addi %add3A_116, %add3A_127 : i32
        %swap3A = arith.constant 1 : i32
        %swap3A_129 = arith.index_cast %swap3A : i32 to index
        %swap3A_130 = arith.index_cast %add3A_128 : i32 to index
        %swap3A_131 = arith.constant 0 : index
        %swap3A_132 = tpu.vector_load %arg6[%swap3A_129, %swap3A_130, %swap3A_131] {strides = array<i32>} : memref<2x256x64xf32, #tpu.memory_space<vmem>>, vector<1x1x16xf32>,
        %swap3A_133 = vector.shape_cast %swap3A_132 : vector<1x1x16xf32> to vector<16xf32>
        %swap3A_134 = vector.shape_cast %mul3A_126 : vector<16xf32> to vector<1x1x16xf32>
        tpu.vector_store %arg6[%swap3A_129, %swap3A_130, %swap3A_131], %swap3A_134 {strides = array<i32>} : memref<2x256x64xf32, #tpu.memory_space<vmem>>, vector<1x1x16xf32>,
        %add3A_135 = arith.constant 0 : i32
        %add3A_136 = arith.addi %add3A_116, %add3A_135 : i32
        %get3A_137 = arith.constant 1 : i32
        %get3A_138 = arith.index_cast %get3A_137 : i32 to index
        %get3A_139 = arith.index_cast %add3A_136 : i32 to index
        %get3A_140 = arith.constant 16 : index
        %get3A_141 = tpu.vector_load %arg6[%get3A_138, %get3A_139, %get3A_140] {strides = array<i32>} : memref<2x256x64xf32, #tpu.memory_space<vmem>>, vector<1x1x16xf32>,
        %get3A_142 = vector.shape_cast %get3A_141 : vector<1x1x16xf32> to vector<16xf32>
        %mul3A_143 = arith.constant 8.000000e+00 : f32
        %mul3A_144 = vector.broadcast %mul3A_143 : f32 to vector<16xf32>
        %mul3A_145 = arith.mulf %get3A_142, %mul3A_144 : vector<16xf32>
        %add3A_146 = arith.constant 0 : i32
        %add3A_147 = arith.addi %add3A_116, %add3A_146 : i32
        %swap3A_148 = arith.constant 1 : i32
        %swap3A_149 = arith.index_cast %swap3A_148 : i32 to index
        %swap3A_150 = arith.index_cast %add3A_147 : i32 to index
        %swap3A_151 = arith.constant 16 : index
        %swap3A_152 = tpu.vector_load %arg6[%swap3A_149, %swap3A_150, %swap3A_151] {strides = array<i32>} : memref<2x256x64xf32, #tpu.memory_space<vmem>>, vector<1x1x16xf32>,
        %swap3A_153 = vector.shape_cast %swap3A_152 : vector<1x1x16xf32> to vector<16xf32>
        %swap3A_154 = vector.shape_cast %mul3A_145 : vector<16xf32> to vector<1x1x16xf32>
        tpu.vector_store %arg6[%swap3A_149, %swap3A_150, %swap3A_151], %swap3A_154 {strides = array<i32>} : memref<2x256x64xf32, #tpu.memory_space<vmem>>, vector<1x1x16xf32>,
        %add3A_155 = arith.constant 0 : i32
        %add3A_156 = arith.addi %add3A_116, %add3A_155 : i32
        %get3A_157 = arith.constant 1 : i32
        %get3A_158 = arith.index_cast %get3A_157 : i32 to index
        %get3A_159 = arith.index_cast %add3A_156 : i32 to index
        %get3A_160 = arith.constant 32 : index
        %get3A_161 = tpu.vector_load %arg6[%get3A_158, %get3A_159, %get3A_160] {strides = array<i32>} : memref<2x256x64xf32, #tpu.memory_space<vmem>>, vector<1x1x16xf32>,
        %get3A_162 = vector.shape_cast %get3A_161 : vector<1x1x16xf32> to vector<16xf32>
        %mul3A_163 = arith.constant 8.000000e+00 : f32
        %mul3A_164 = vector.broadcast %mul3A_163 : f32 to vector<16xf32>
        %mul3A_165 = arith.mulf %get3A_162, %mul3A_164 : vector<16xf32>
        %add3A_166 = arith.constant 0 : i32
        %add3A_167 = arith.addi %add3A_116, %add3A_166 : i32
        %swap3A_168 = arith.constant 1 : i32
        %swap3A_169 = arith.index_cast %swap3A_168 : i32 to index
        %swap3A_170 = arith.index_cast %add3A_167 : i32 to index
        %swap3A_171 = arith.constant 32 : index
        %swap3A_172 = tpu.vector_load %arg6[%swap3A_169, %swap3A_170, %swap3A_171] {strides = array<i32>} : memref<2x256x64xf32, #tpu.memory_space<vmem>>, vector<1x1x16xf32>,
        %swap3A_173 = vector.shape_cast %swap3A_172 : vector<1x1x16xf32> to vector<16xf32>
        %swap3A_174 = vector.shape_cast %mul3A_165 : vector<16xf32> to vector<1x1x16xf32>
        tpu.vector_store %arg6[%swap3A_169, %swap3A_170, %swap3A_171], %swap3A_174 {strides = array<i32>} : memref<2x256x64xf32, #tpu.memory_space<vmem>>, vector<1x1x16xf32>,
        %add3A_175 = arith.constant 0 : i32
        %add3A_176 = arith.addi %add3A_116, %add3A_175 : i32
        %get3A_177 = arith.constant 1 : i32
        %get3A_178 = arith.index_cast %get3A_177 : i32 to index
        %get3A_179 = arith.index_cast %add3A_176 : i32 to index
        %get3A_180 = arith.constant 48 : index
        %get3A_181 = tpu.vector_load %arg6[%get3A_178, %get3A_179, %get3A_180] {strides = array<i32>} : memref<2x256x64xf32, #tpu.memory_space<vmem>>, vector<1x1x16xf32>,
        %get3A_182 = vector.shape_cast %get3A_181 : vector<1x1x16xf32> to vector<16xf32>
        %mul3A_183 = arith.constant 8.000000e+00 : f32
        %mul3A_184 = vector.broadcast %mul3A_183 : f32 to vector<16xf32>
        %mul3A_185 = arith.mulf %get3A_182, %mul3A_184 : vector<16xf32>
        %add3A_186 = arith.constant 0 : i32
        %add3A_187 = arith.addi %add3A_116, %add3A_186 : i32
        %swap3A_188 = arith.constant 1 : i32
        %swap3A_189 = arith.index_cast %swap3A_188 : i32 to index
        %swap3A_190 = arith.index_cast %add3A_187 : i32 to index
        %swap3A_191 = arith.constant 48 : index
        %swap3A_192 = tpu.vector_load %arg6[%swap3A_189, %swap3A_190, %swap3A_191] {strides = array<i32>} : memref<2x256x64xf32, #tpu.memory_space<vmem>>, vector<1x1x16xf32>,
        %swap3A_193 = vector.shape_cast %swap3A_192 : vector<1x1x16xf32> to vector<16xf32>
        %swap3A_194 = vector.shape_cast %mul3A_185 : vector<16xf32> to vector<1x1x16xf32>
        tpu.vector_store %arg6[%swap3A_189, %swap3A_190, %swap3A_191], %swap3A_194 {strides = array<i32>} : memref<2x256x64xf32, #tpu.memory_space<vmem>>, vector<1x1x16xf32>,
        %add3A_195 = arith.constant 1 : i32
        %add3A_196 = arith.addi %add3A_116, %add3A_195 : i32
        %get3A_197 = arith.constant 1 : i32
        %get3A_198 = arith.index_cast %get3A_197 : i32 to index
        %get3A_199 = arith.index_cast %add3A_196 : i32 to index
        %get3A_200 = arith.constant 0 : index
        %get3A_201 = tpu.vector_load %arg6[%get3A_198, %get3A_199, %get3A_200] {strides = array<i32>} : memref<2x256x64xf32, #tpu.memory_space<vmem>>, vector<1x1x16xf32>,
        %get3A_202 = vector.shape_cast %get3A_201 : vector<1x1x16xf32> to vector<16xf32>
        %mul3A_203 = arith.constant 8.000000e+00 : f32
        %mul3A_204 = vector.broadcast %mul3A_203 : f32 to vector<16xf32>
        %mul3A_205 = arith.mulf %get3A_202, %mul3A_204 : vector<16xf32>
        %add3A_206 = arith.constant 1 : i32
        %add3A_207 = arith.addi %add3A_116, %add3A_206 : i32
        %swap3A_208 = arith.constant 1 : i32
        %swap3A_209 = arith.index_cast %swap3A_208 : i32 to index
        %swap3A_210 = arith.index_cast %add3A_207 : i32 to index
        %swap3A_211 = arith.constant 0 : index
        %swap3A_212 = tpu.vector_load %arg6[%swap3A_209, %swap3A_210, %swap3A_211] {strides = array<i32>} : memref<2x256x64xf32, #tpu.memory_space<vmem>>, vector<1x1x16xf32>,
        %swap3A_213 = vector.shape_cast %swap3A_212 : vector<1x1x16xf32> to vector<16xf32>
        %swap3A_214 = vector.shape_cast %mul3A_205 : vector<16xf32> to vector<1x1x16xf32>
        tpu.vector_store %arg6[%swap3A_209, %swap3A_210, %swap3A_211], %swap3A_214 {strides = array<i32>} : memref<2x256x64xf32, #tpu.memory_space<vmem>>, vector<1x1x16xf32>,
        %add3A_215 = arith.constant 1 : i32
        %add3A_216 = arith.addi %add3A_116, %add3A_215 : i32
        %get3A_217 = arith.constant 1 : i32
        %get3A_218 = arith.index_cast %get3A_217 : i32 to index
        %get3A_219 = arith.index_cast %add3A_216 : i32 to index
        %get3A_220 = arith.constant 16 : index
        %get3A_221 = tpu.vector_load %arg6[%get3A_218, %get3A_219, %get3A_220] {strides = array<i32>} : memref<2x256x64xf32, #tpu.memory_space<vmem>>, vector<1x1x16xf32>,
        %get3A_222 = vector.shape_cast %get3A_221 : vector<1x1x16xf32> to vector<16xf32>
        %mul3A_223 = arith.constant 8.000000e+00 : f32
        %mul3A_224 = vector.broadcast %mul3A_223 : f32 to vector<16xf32>
        %mul3A_225 = arith.mulf %get3A_222, %mul3A_224 : vector<16xf32>
        %add3A_226 = arith.constant 1 : i32
        %add3A_227 = arith.addi %add3A_116, %add3A_226 : i32
        %swap3A_228 = arith.constant 1 : i32
        %swap3A_229 = arith.index_cast %swap3A_228 : i32 to index
        %swap3A_230 = arith.index_cast %add3A_227 : i32 to index
        %swap3A_231 = arith.constant 16 : index
        %swap3A_232 = tpu.vector_load %arg6[%swap3A_229, %swap3A_230, %swap3A_231] {strides = array<i32>} : memref<2x256x64xf32, #tpu.memory_space<vmem>>, vector<1x1x16xf32>,
        %swap3A_233 = vector.shape_cast %swap3A_232 : vector<1x1x16xf32> to vector<16xf32>
        %swap3A_234 = vector.shape_cast %mul3A_225 : vector<16xf32> to vector<1x1x16xf32>
        tpu.vector_store %arg6[%swap3A_229, %swap3A_230, %swap3A_231], %swap3A_234 {strides = array<i32>} : memref<2x256x64xf32, #tpu.memory_space<vmem>>, vector<1x1x16xf32>,
        %add3A_235 = arith.constant 1 : i32
        %add3A_236 = arith.addi %add3A_116, %add3A_235 : i32
        %get3A_237 = arith.constant 1 : i32
        %get3A_238 = arith.index_cast %get3A_237 : i32 to index
        %get3A_239 = arith.index_cast %add3A_236 : i32 to index
        %get3A_240 = arith.constant 32 : index
        %get3A_241 = tpu.vector_load %arg6[%get3A_238, %get3A_239, %get3A_240] {strides = array<i32>} : memref<2x256x64xf32, #tpu.memory_space<vmem>>, vector<1x1x16xf32>,
        %get3A_242 = vector.shape_cast %get3A_241 : vector<1x1x16xf32> to vector<16xf32>
        %mul3A_243 = arith.constant 8.000000e+00 : f32
        %mul3A_244 = vector.broadcast %mul3A_243 : f32 to vector<16xf32>
        %mul3A_245 = arith.mulf %get3A_242, %mul3A_244 : vector<16xf32>
        %add3A_246 = arith.constant 1 : i32
        %add3A_247 = arith.addi %add3A_116, %add3A_246 : i32
        %swap3A_248 = arith.constant 1 : i32
        %swap3A_249 = arith.index_cast %swap3A_248 : i32 to index
        %swap3A_250 = arith.index_cast %add3A_247 : i32 to index
        %swap3A_251 = arith.constant 32 : index
        %swap3A_252 = tpu.vector_load %arg6[%swap3A_249, %swap3A_250, %swap3A_251] {strides = array<i32>} : memref<2x256x64xf32, #tpu.memory_space<vmem>>, vector<1x1x16xf32>,
        %swap3A_253 = vector.shape_cast %swap3A_252 : vector<1x1x16xf32> to vector<16xf32>
        %swap3A_254 = vector.shape_cast %mul3A_245 : vector<16xf32> to vector<1x1x16xf32>
        tpu.vector_store %arg6[%swap3A_249, %swap3A_250, %swap3A_251], %swap3A_254 {strides = array<i32>} : memref<2x256x64xf32, #tpu.memory_space<vmem>>, vector<1x1x16xf32>,
        %add3A_255 = arith.constant 1 : i32
        %add3A_256 = arith.addi %add3A_116, %add3A_255 : i32
        %get3A_257 = arith.constant 1 : i32
        %get3A_258 = arith.index_cast %get3A_257 : i32 to index
        %get3A_259 = arith.index_cast %add3A_256 : i32 to index
        %get3A_260 = arith.constant 48 : index
        %get3A_261 = tpu.vector_load %arg6[%get3A_258, %get3A_259, %get3A_260] {strides = array<i32>} : memref<2x256x64xf32, #tpu.memory_space<vmem>>, vector<1x1x16xf32>,
        %get3A_262 = vector.shape_cast %get3A_261 : vector<1x1x16xf32> to vector<16xf32>
        %mul3A_263 = arith.constant 8.000000e+00 : f32
        %mul3A_264 = vector.broadcast %mul3A_263 : f32 to vector<16xf32>
        %mul3A_265 = arith.mulf %get3A_262, %mul3A_264 : vector<16xf32>
        %add3A_266 = arith.constant 1 : i32
        %add3A_267 = arith.addi %add3A_116, %add3A_266 : i32
        %swap3A_268 = arith.constant 1 : i32
        %swap3A_269 = arith.index_cast %swap3A_268 : i32 to index
        %swap3A_270 = arith.index_cast %add3A_267 : i32 to index
        %swap3A_271 = arith.constant 48 : index
        %swap3A_272 = tpu.vector_load %arg6[%swap3A_269, %swap3A_270, %swap3A_271] {strides = array<i32>} : memref<2x256x64xf32, #tpu.memory_space<vmem>>, vector<1x1x16xf32>,
        %swap3A_273 = vector.shape_cast %swap3A_272 : vector<1x1x16xf32> to vector<16xf32>
        %swap3A_274 = vector.shape_cast %mul3A_265 : vector<16xf32> to vector<1x1x16xf32>
        tpu.vector_store %arg6[%swap3A_269, %swap3A_270, %swap3A_271], %swap3A_274 {strides = array<i32>} : memref<2x256x64xf32, #tpu.memory_space<vmem>>, vector<1x1x16xf32>,
        %add3A_275 = arith.constant 2 : i32
        %add3A_276 = arith.addi %add3A_116, %add3A_275 : i32
        %get3A_277 = arith.constant 1 : i32
        %get3A_278 = arith.index_cast %get3A_277 : i32 to index
        %get3A_279 = arith.index_cast %add3A_276 : i32 to index
        %get3A_280 = arith.constant 0 : index
        %get3A_281 = tpu.vector_load %arg6[%get3A_278, %get3A_279, %get3A_280] {strides = array<i32>} : memref<2x256x64xf32, #tpu.memory_space<vmem>>, vector<1x1x16xf32>,
        %get3A_282 = vector.shape_cast %get3A_281 : vector<1x1x16xf32> to vector<16xf32>
        %mul3A_283 = arith.constant 8.000000e+00 : f32
        %mul3A_284 = vector.broadcast %mul3A_283 : f32 to vector<16xf32>
        %mul3A_285 = arith.mulf %get3A_282, %mul3A_284 : vector<16xf32>
        %add3A_286 = arith.constant 2 : i32
        %add3A_287 = arith.addi %add3A_116, %add3A_286 : i32
        %swap3A_288 = arith.constant 1 : i32
        %swap3A_289 = arith.index_cast %swap3A_288 : i32 to index
        %swap3A_290 = arith.index_cast %add3A_287 : i32 to index
        %swap3A_291 = arith.constant 0 : index
        %swap3A_292 = tpu.vector_load %arg6[%swap3A_289, %swap3A_290, %swap3A_291] {strides = array<i32>} : memref<2x256x64xf32, #tpu.memory_space<vmem>>, vector<1x1x16xf32>,
        %swap3A_293 = vector.shape_cast %swap3A_292 : vector<1x1x16xf32> to vector<16xf32>
        %swap3A_294 = vector.shape_cast %mul3A_285 : vector<16xf32> to vector<1x1x16xf32>
        tpu.vector_store %arg6[%swap3A_289, %swap3A_290, %swap3A_291], %swap3A_294 {strides = array<i32>} : memref<2x256x64xf32, #tpu.memory_space<vmem>>, vector<1x1x16xf32>,
        %add3A_295 = arith.constant 2 : i32
        %add3A_296 = arith.addi %add3A_116, %add3A_295 : i32
        %get3A_297 = arith.constant 1 : i32
        %get3A_298 = arith.index_cast %get3A_297 : i32 to index
        %get3A_299 = arith.index_cast %add3A_296 : i32 to index
        %get3A_300 = arith.constant 16 : index
        %get3A_301 = tpu.vector_load %arg6[%get3A_298, %get3A_299, %get3A_300] {strides = array<i32>} : memref<2x256x64xf32, #tpu.memory_space<vmem>>, vector<1x1x16xf32>,
        %get3A_302 = vector.shape_cast %get3A_301 : vector<1x1x16xf32> to vector<16xf32>
        %mul3A_303 = arith.constant 8.000000e+00 : f32
        %mul3A_304 = vector.broadcast %mul3A_303 : f32 to vector<16xf32>
        %mul3A_305 = arith.mulf %get3A_302, %mul3A_304 : vector<16xf32>
        %add3A_306 = arith.constant 2 : i32
        %add3A_307 = arith.addi %add3A_116, %add3A_306 : i32
        %swap3A_308 = arith.constant 1 : i32
        %swap3A_309 = arith.index_cast %swap3A_308 : i32 to index
        %swap3A_310 = arith.index_cast %add3A_307 : i32 to index
        %swap3A_311 = arith.constant 16 : index
        %swap3A_312 = tpu.vector_load %arg6[%swap3A_309, %swap3A_310, %swap3A_311] {strides = array<i32>} : memref<2x256x64xf32, #tpu.memory_space<vmem>>, vector<1x1x16xf32>,
        %swap3A_313 = vector.shape_cast %swap3A_312 : vector<1x1x16xf32> to vector<16xf32>
        %swap3A_314 = vector.shape_cast %mul3A_305 : vector<16xf32> to vector<1x1x16xf32>
        tpu.vector_store %arg6[%swap3A_309, %swap3A_310, %swap3A_311], %swap3A_314 {strides = array<i32>} : memref<2x256x64xf32, #tpu.memory_space<vmem>>, vector<1x1x16xf32>,
        %add3A_315 = arith.constant 2 : i32
        %add3A_316 = arith.addi %add3A_116, %add3A_315 : i32
        %get3A_317 = arith.constant 1 : i32
        %get3A_318 = arith.index_cast %get3A_317 : i32 to index
        %get3A_319 = arith.index_cast %add3A_316 : i32 to index
        %get3A_320 = arith.constant 32 : index
        %get3A_321 = tpu.vector_load %arg6[%get3A_318, %get3A_319, %get3A_320] {strides = array<i32>} : memref<2x256x64xf32, #tpu.memory_space<vmem>>, vector<1x1x16xf32>,
        %get3A_322 = vector.shape_cast %get3A_321 : vector<1x1x16xf32> to vector<16xf32>
        %mul3A_323 = arith.constant 8.000000e+00 : f32
        %mul3A_324 = vector.broadcast %mul3A_323 : f32 to vector<16xf32>
        %mul3A_325 = arith.mulf %get3A_322, %mul3A_324 : vector<16xf32>
        %add3A_326 = arith.constant 2 : i32
        %add3A_327 = arith.addi %add3A_116, %add3A_326 : i32
        %swap3A_328 = arith.constant 1 : i32
        %swap3A_329 = arith.index_cast %swap3A_328 : i32 to index
        %swap3A_330 = arith.index_cast %add3A_327 : i32 to index
        %swap3A_331 = arith.constant 32 : index
        %swap3A_332 = tpu.vector_load %arg6[%swap3A_329, %swap3A_330, %swap3A_331] {strides = array<i32>} : memref<2x256x64xf32, #tpu.memory_space<vmem>>, vector<1x1x16xf32>,
        %swap3A_333 = vector.shape_cast %swap3A_332 : vector<1x1x16xf32> to vector<16xf32>
        %swap3A_334 = vector.shape_cast %mul3A_325 : vector<16xf32> to vector<1x1x16xf32>
        tpu.vector_store %arg6[%swap3A_329, %swap3A_330, %swap3A_331], %swap3A_334 {strides = array<i32>} : memref<2x256x64xf32, #tpu.memory_space<vmem>>, vector<1x1x16xf32>,
        %add3A_335 = arith.constant 2 : i32
        %add3A_336 = arith.addi %add3A_116, %add3A_335 : i32
        %get3A_337 = arith.constant 1 : i32
        %get3A_338 = arith.index_cast %get3A_337 : i32 to index
        %get3A_339 = arith.index_cast %add3A_336 : i32 to index
        %get3A_340 = arith.constant 48 : index
        %get3A_341 = tpu.vector_load %arg6[%get3A_338, %get3A_339, %get3A_340] {strides = array<i32>} : memref<2x256x64xf32, #tpu.memory_space<vmem>>, vector<1x1x16xf32>,
        %get3A_342 = vector.shape_cast %get3A_341 : vector<1x1x16xf32> to vector<16xf32>
        %mul3A_343 = arith.constant 8.000000e+00 : f32
        %mul3A_344 = vector.broadcast %mul3A_343 : f32 to vector<16xf32>
        %mul3A_345 = arith.mulf %get3A_342, %mul3A_344 : vector<16xf32>
        %add3A_346 = arith.constant 2 : i32
        %add3A_347 = arith.addi %add3A_116, %add3A_346 : i32
        %swap3A_348 = arith.constant 1 : i32
        %swap3A_349 = arith.index_cast %swap3A_348 : i32 to index
        %swap3A_350 = arith.index_cast %add3A_347 : i32 to index
        %swap3A_351 = arith.constant 48 : index
        %swap3A_352 = tpu.vector_load %arg6[%swap3A_349, %swap3A_350, %swap3A_351] {strides = array<i32>} : memref<2x256x64xf32, #tpu.memory_space<vmem>>, vector<1x1x16xf32>,
        %swap3A_353 = vector.shape_cast %swap3A_352 : vector<1x1x16xf32> to vector<16xf32>
        %swap3A_354 = vector.shape_cast %mul3A_345 : vector<16xf32> to vector<1x1x16xf32>
        tpu.vector_store %arg6[%swap3A_349, %swap3A_350, %swap3A_351], %swap3A_354 {strides = array<i32>} : memref<2x256x64xf32, #tpu.memory_space<vmem>>, vector<1x1x16xf32>,
        %add3A_355 = arith.constant 3 : i32
        %add3A_356 = arith.addi %add3A_116, %add3A_355 : i32
        %get3A_357 = arith.constant 1 : i32
        %get3A_358 = arith.index_cast %get3A_357 : i32 to index
        %get3A_359 = arith.index_cast %add3A_356 : i32 to index
        %get3A_360 = arith.constant 0 : index
        %get3A_361 = tpu.vector_load %arg6[%get3A_358, %get3A_359, %get3A_360] {strides = array<i32>} : memref<2x256x64xf32, #tpu.memory_space<vmem>>, vector<1x1x16xf32>,
        %get3A_362 = vector.shape_cast %get3A_361 : vector<1x1x16xf32> to vector<16xf32>
        %mul3A_363 = arith.constant 8.000000e+00 : f32
        %mul3A_364 = vector.broadcast %mul3A_363 : f32 to vector<16xf32>
        %mul3A_365 = arith.mulf %get3A_362, %mul3A_364 : vector<16xf32>
        %add3A_366 = arith.constant 3 : i32
        %add3A_367 = arith.addi %add3A_116, %add3A_366 : i32
        %swap3A_368 = arith.constant 1 : i32
        %swap3A_369 = arith.index_cast %swap3A_368 : i32 to index
        %swap3A_370 = arith.index_cast %add3A_367 : i32 to index
        %swap3A_371 = arith.constant 0 : index
        %swap3A_372 = tpu.vector_load %arg6[%swap3A_369, %swap3A_370, %swap3A_371] {strides = array<i32>} : memref<2x256x64xf32, #tpu.memory_space<vmem>>, vector<1x1x16xf32>,
        %swap3A_373 = vector.shape_cast %swap3A_372 : vector<1x1x16xf32> to vector<16xf32>
        %swap3A_374 = vector.shape_cast %mul3A_365 : vector<16xf32> to vector<1x1x16xf32>
        tpu.vector_store %arg6[%swap3A_369, %swap3A_370, %swap3A_371], %swap3A_374 {strides = array<i32>} : memref<2x256x64xf32, #tpu.memory_space<vmem>>, vector<1x1x16xf32>,
        %add3A_375 = arith.constant 3 : i32
        %add3A_376 = arith.addi %add3A_116, %add3A_375 : i32
        %get3A_377 = arith.constant 1 : i32
        %get3A_378 = arith.index_cast %get3A_377 : i32 to index
        %get3A_379 = arith.index_cast %add3A_376 : i32 to index
        %get3A_380 = arith.constant 16 : index
        %get3A_381 = tpu.vector_load %arg6[%get3A_378, %get3A_379, %get3A_380] {strides = array<i32>} : memref<2x256x64xf32, #tpu.memory_space<vmem>>, vector<1x1x16xf32>,
        %get3A_382 = vector.shape_cast %get3A_381 : vector<1x1x16xf32> to vector<16xf32>
        %mul3A_383 = arith.constant 8.000000e+00 : f32
        %mul3A_384 = vector.broadcast %mul3A_383 : f32 to vector<16xf32>
        %mul3A_385 = arith.mulf %get3A_382, %mul3A_384 : vector<16xf32>
        %add3A_386 = arith.constant 3 : i32
        %add3A_387 = arith.addi %add3A_116, %add3A_386 : i32
        %swap3A_388 = arith.constant 1 : i32
        %swap3A_389 = arith.index_cast %swap3A_388 : i32 to index
        %swap3A_390 = arith.index_cast %add3A_387 : i32 to index
        %swap3A_391 = arith.constant 16 : index
        %swap3A_392 = tpu.vector_load %arg6[%swap3A_389, %swap3A_390, %swap3A_391] {strides = array<i32>} : memref<2x256x64xf32, #tpu.memory_space<vmem>>, vector<1x1x16xf32>,
        %swap3A_393 = vector.shape_cast %swap3A_392 : vector<1x1x16xf32> to vector<16xf32>
        %swap3A_394 = vector.shape_cast %mul3A_385 : vector<16xf32> to vector<1x1x16xf32>
        tpu.vector_store %arg6[%swap3A_389, %swap3A_390, %swap3A_391], %swap3A_394 {strides = array<i32>} : memref<2x256x64xf32, #tpu.memory_space<vmem>>, vector<1x1x16xf32>,
        %add3A_395 = arith.constant 3 : i32
        %add3A_396 = arith.addi %add3A_116, %add3A_395 : i32
        %get3A_397 = arith.constant 1 : i32
        %get3A_398 = arith.index_cast %get3A_397 : i32 to index
        %get3A_399 = arith.index_cast %add3A_396 : i32 to index
        %get3A_400 = arith.constant 32 : index
        %get3A_401 = tpu.vector_load %arg6[%get3A_398, %get3A_399, %get3A_400] {strides = array<i32>} : memref<2x256x64xf32, #tpu.memory_space<vmem>>, vector<1x1x16xf32>,
        %get3A_402 = vector.shape_cast %get3A_401 : vector<1x1x16xf32> to vector<16xf32>
        %mul3A_403 = arith.constant 8.000000e+00 : f32
        %mul3A_404 = vector.broadcast %mul3A_403 : f32 to vector<16xf32>
        %mul3A_405 = arith.mulf %get3A_402, %mul3A_404 : vector<16xf32>
        %add3A_406 = arith.constant 3 : i32
        %add3A_407 = arith.addi %add3A_116, %add3A_406 : i32
        %swap3A_408 = arith.constant 1 : i32
        %swap3A_409 = arith.index_cast %swap3A_408 : i32 to index
        %swap3A_410 = arith.index_cast %add3A_407 : i32 to index
        %swap3A_411 = arith.constant 32 : index
        %swap3A_412 = tpu.vector_load %arg6[%swap3A_409, %swap3A_410, %swap3A_411] {strides = array<i32>} : memref<2x256x64xf32, #tpu.memory_space<vmem>>, vector<1x1x16xf32>,
        %swap3A_413 = vector.shape_cast %swap3A_412 : vector<1x1x16xf32> to vector<16xf32>
        %swap3A_414 = vector.shape_cast %mul3A_405 : vector<16xf32> to vector<1x1x16xf32>
        tpu.vector_store %arg6[%swap3A_409, %swap3A_410, %swap3A_411], %swap3A_414 {strides = array<i32>} : memref<2x256x64xf32, #tpu.memory_space<vmem>>, vector<1x1x16xf32>,
        %add3A_415 = arith.constant 3 : i32
        %add3A_416 = arith.addi %add3A_116, %add3A_415 : i32
        %get3A_417 = arith.constant 1 : i32
        %get3A_418 = arith.index_cast %get3A_417 : i32 to index
        %get3A_419 = arith.index_cast %add3A_416 : i32 to index
        %get3A_420 = arith.constant 48 : index
        %get3A_421 = tpu.vector_load %arg6[%get3A_418, %get3A_419, %get3A_420] {strides = array<i32>} : memref<2x256x64xf32, #tpu.memory_space<vmem>>, vector<1x1x16xf32>,
        %get3A_422 = vector.shape_cast %get3A_421 : vector<1x1x16xf32> to vector<16xf32>
        %mul3A_423 = arith.constant 8.000000e+00 : f32
        %mul3A_424 = vector.broadcast %mul3A_423 : f32 to vector<16xf32>
        %mul3A_425 = arith.mulf %get3A_422, %mul3A_424 : vector<16xf32>
        %add3A_426 = arith.constant 3 : i32
        %add3A_427 = arith.addi %add3A_116, %add3A_426 : i32
        %swap3A_428 = arith.constant 1 : i32
        %swap3A_429 = arith.index_cast %swap3A_428 : i32 to index
        %swap3A_430 = arith.index_cast %add3A_427 : i32 to index
        %swap3A_431 = arith.constant 48 : index
        %swap3A_432 = tpu.vector_load %arg6[%swap3A_429, %swap3A_430, %swap3A_431] {strides = array<i32>} : memref<2x256x64xf32, #tpu.memory_space<vmem>>, vector<1x1x16xf32>,
        %swap3A_433 = vector.shape_cast %swap3A_432 : vector<1x1x16xf32> to vector<16xf32>
        %swap3A_434 = vector.shape_cast %mul3A_425 : vector<16xf32> to vector<1x1x16xf32>
        tpu.vector_store %arg6[%swap3A_429, %swap3A_430, %swap3A_431], %swap3A_434 {strides = array<i32>} : memref<2x256x64xf32, #tpu.memory_space<vmem>>, vector<1x1x16xf32>,
      }
      %scan3A_100 = arith.constant 64 : i32
      %mul3A_101 = arith.constant 256 : i32
      %mul3A_102 = arith.muli %add3A_77, %mul3A_101 : i32
      %add3A_103 = arith.addi %mul3A_2, %mul3A_102 : i32
      %run_scoped3A_104 = arith.constant 1 : i32
      "tpu.region"() ({
        %run_scoped3A_112 = tpu.sem_alloc : memref<!tpu.dma_semaphore, #tpu.memory_space<semaphore_mem>>
        %dma_start3A_113 = arith.constant 0 : i32
        %dma_start3A_114 = arith.constant 0 : i32
        %dma_start3A_115 = tpu.memref_slice %arg6[%run_scoped3A_104, %dma_start3A_113, %dma_start3A_114] : memref<2x256x64xf32, #tpu.memory_space<vmem>> -> memref<1x256x64xf32, #tpu.memory_space<vmem>>
        %dma_start3A_116 = tpu.memref_squeeze %dma_start3A_115 : memref<1x256x64xf32, #tpu.memory_space<vmem>> -> memref<256x64xf32, #tpu.memory_space<vmem>>
        %dma_start3A_117 = arith.constant 0 : i32
        %dma_start3A_118 = tpu.memref_slice %arg4[%add3A_103, %dma_start3A_117] : memref<819200x64xf32, #tpu.memory_space<hbm>> -> memref<256x64xf32, #tpu.memory_space<hbm>>
        %dma_start3A_119 = arith.constant 0 : i32
        %dma_start3A_120 = tpu.memref_slice %arg4[%add3A_103, %dma_start3A_119] : memref<819200x64xf32, #tpu.memory_space<hbm>> -> memref<256x64xf32, #tpu.memory_space<hbm>>
        %dma_start3A_121 = arith.constant 0 : i32
        %dma_start3A_122 = arith.constant 0 : i32
        %dma_start3A_123 = tpu.memref_slice %arg6[%run_scoped3A_104, %dma_start3A_121, %dma_start3A_122] : memref<2x256x64xf32, #tpu.memory_space<vmem>> -> memref<1x256x64xf32, #tpu.memory_space<vmem>>
        %dma_start3A_124 = tpu.memref_squeeze %dma_start3A_123 : memref<1x256x64xf32, #tpu.memory_space<vmem>> -> memref<256x64xf32, #tpu.memory_space<vmem>>
        tpu.enqueue_dma source(%dma_start3A_124 : memref<256x64xf32, #tpu.memory_space<vmem>>) target(%dma_start3A_120 : memref<256x64xf32, #tpu.memory_space<hbm>>) target_semaphore(%run_scoped3A_112 : memref<!tpu.dma_semaphore, #tpu.memory_space<semaphore_mem>>)
        %dma_wait3A_125 = arith.constant 0 : i32
        %dma_wait3A_126 = arith.constant 0 : i32
        %dma_wait3A_127 = tpu.memref_slice %arg6[%run_scoped3A_104, %dma_wait3A_125, %dma_wait3A_126] : memref<2x256x64xf32, #tpu.memory_space<vmem>> -> memref<1x256x64xf32, #tpu.memory_space<vmem>>
        %dma_wait3A_128 = tpu.memref_squeeze %dma_wait3A_127 : memref<1x256x64xf32, #tpu.memory_space<vmem>> -> memref<256x64xf32, #tpu.memory_space<vmem>>
        %dma_wait3A_129 = arith.constant 0 : i32
        %dma_wait3A_130 = tpu.memref_slice %arg4[%add3A_103, %dma_wait3A_129] : memref<819200x64xf32, #tpu.memory_space<hbm>> -> memref<256x64xf32, #tpu.memory_space<hbm>>
        %dma_wait3A_131 = arith.constant 0 : i32
        %dma_wait3A_132 = tpu.memref_slice %arg4[%add3A_103, %dma_wait3A_131] : memref<819200x64xf32, #tpu.memory_space<hbm>> -> memref<256x64xf32, #tpu.memory_space<hbm>>
        %dma_wait3A_133 = arith.constant 0 : i32
        %dma_wait3A_134 = arith.constant 0 : i32
        %dma_wait3A_135 = tpu.memref_slice %arg6[%run_scoped3A_104, %dma_wait3A_133, %dma_wait3A_134] : memref<2x256x64xf32, #tpu.memory_space<vmem>> -> memref<1x256x64xf32, #tpu.memory_space<vmem>>
        %dma_wait3A_136 = tpu.memref_squeeze %dma_wait3A_135 : memref<1x256x64xf32, #tpu.memory_space<vmem>> -> memref<256x64xf32, #tpu.memory_space<vmem>>
        tpu.wait_dma2 semaphore(%run_scoped3A_112 : memref<!tpu.dma_semaphore, #tpu.memory_space<semaphore_mem>>) src(%dma_wait3A_136 : memref<256x64xf32, #tpu.memory_space<vmem>>) dst(%dma_wait3A_132 : memref<256x64xf32, #tpu.memory_space<hbm>>)
        tpu.yield
      }) : () -> ()
      %add3A_105 = arith.constant 2 : i32
      %add3A_106 = arith.addi %add3A_77, %add3A_105 : i32
      %lt3A_107 = arith.constant 100 : i32
      %lt3A_108 = arith.cmpi slt, %add3A_106, %lt3A_107 : i32
      %convert_element_type3A_109 = arith.extui %lt3A_108 : i1 to i32
      %cond3A_110 = arith.constant 0 : i32
      %cond3A_111 = arith.cmpi ne, %convert_element_type3A_109, %cond3A_110 : i32
      scf.if %cond3A_111 {
        %add3A_112 = arith.constant 2 : i32
        %add3A_113 = arith.addi %add3A_77, %add3A_112 : i32
        %mul3A_114 = arith.constant 256 : i32
        %mul3A_115 = arith.muli %add3A_113, %mul3A_114 : i32
        %dma_start3A_116 = arith.constant 0 : i32
        %dma_start3A_117 = arith.constant 1 : i32
        %dma_start3A_118 = arith.constant 1 : i32
        %dma_start3A_119 = arith.constant 0 : i32
        %dma_start3A_120 = arith.constant 0 : i32
        %dma_start3A_121 = tpu.memref_slice %arg6[%dma_start3A_117, %dma_start3A_119, %dma_start3A_120] : memref<2x256x64xf32, #tpu.memory_space<vmem>> -> memref<1x256x64xf32, #tpu.memory_space<vmem>>
        %dma_start3A_122 = tpu.memref_squeeze %dma_start3A_121 : memref<1x256x64xf32, #tpu.memory_space<vmem>> -> memref<256x64xf32, #tpu.memory_space<vmem>>
        %dma_start3A_123 = tpu.memref_slice %arg5[%dma_start3A_116, %mul3A_115] : memref<1x25600xi32, #tpu.memory_space<vmem>> -> memref<1x256xi32, #tpu.memory_space<vmem>>
        %dma_start3A_124 = tpu.memref_squeeze %dma_start3A_123 : memref<1x256xi32, #tpu.memory_space<vmem>> -> memref<256xi32, #tpu.memory_space<vmem>>
        %dma_start3A_125 = arith.constant 0 : i32
        %dma_start3A_126 = arith.constant 0 : i32
        %dma_start3A_127 = tpu.memref_slice %arg3[%dma_start3A_125, %dma_start3A_126] : memref<1000000x64xf32, #tpu.memory_space<hbm>> -> memref<1000000x64xf32, #tpu.memory_space<hbm>>
        %dma_start3A_128 = tpu.memref_slice %arg7[%dma_start3A_118] : memref<2x!tpu.dma_semaphore, #tpu.memory_space<semaphore_mem>> -> memref<1x!tpu.dma_semaphore, #tpu.memory_space<semaphore_mem>>
        %dma_start3A_129 = tpu.memref_squeeze %dma_start3A_128 : memref<1x!tpu.dma_semaphore, #tpu.memory_space<semaphore_mem>> -> memref<!tpu.dma_semaphore, #tpu.memory_space<semaphore_mem>>
        tpu.enqueue_indirect_dma source(%dma_start3A_127 : memref<1000000x64xf32, #tpu.memory_space<hbm>>) target(%dma_start3A_122 : memref<256x64xf32, #tpu.memory_space<vmem>>) offsets(%dma_start3A_124 : memref<256xi32, #tpu.memory_space<vmem>>) semaphore(%dma_start3A_129 : memref<!tpu.dma_semaphore, #tpu.memory_space<semaphore_mem>>)
      } else {
      }
    }
    %scan3A_39 = arith.constant 50 : i32
    return
  }
}

</mosaic_0001>

<sc_bundles>
// kernel: kernel.3.cloned.1.call-start
scs
__scs_entry_jumppad:
0x0: {  	(pc) =	sbr.rel $0x88, $3  }
0x1: {  	(tag) =	ssettag $0x0;
	lr =	simm.s32 $0x1  }
0x2: {  	[smem:$0x3F9F] =	sst lr;
	_ =	strace $0xD0000000  }
0x3: {  	_ = 	snop  }
0x4: {  	_ = 	snop  }
0x5: {  	_ = 	snop  }
0x6: {  	_ = 	snop  }
0x7: {  	_ = 	snop  }
__scs_overlays_trampoline_lowered:
0x8: {  	[smem:$0x3FAE] =	sst s0  }
0x9: {  	[smem:$0x3FAF] =	sst s1  }
0xa: {  	[smem:$0x3FB0] =	sst s2  }
0xb: {  	[smem:$0x3FB1] =	sst s3  }
0xc: {  	[smem:$0x3FB2] =	sst s4  }
0xd: {  	[smem:$0x3FB3] =	sst s5  }
0xe: {  	[smem:$0x3FB4] =	sst s6  }
0xf: {  	[smem:$0x3FB5] =	sst s7  }
0x10: {  	[smem:$0x3FB6] =	sst s8  }
0x11: {  	[smem:$0x3FB7] =	sst s9;
	s0 =	simm.s32 @!p0 $0x0  }
0x12: {  	s1 =	sld [smem:$0x3F9D];
	s0 =	simm.s32 @p0 $0x1  }
0x13: {  	[smem:$0x3FB8] =	sst s0;
	s0 =	simm.s32 @!p1 $0x0  }
0x14: {  	s2 =	sld [smem:$0x3F9C];
	s0 =	simm.s32 @p1 $0x1  }
0x15: {  	[smem:$0x3FB9] =	sst s0;
	s0 =	simm.s32 @!p2 $0x0  }
0x16: {  	s3 =	sld [smem:$0x3FDB];
	s0 =	simm.s32 @p2 $0x1  }
0x17: {  	s4 =	simm.s32 $0x1BF5;
	[smem:$0x3FBB] =	sst s0  }
0x18: {  	s0 =	sld [smem:$0x3F9E];
	_ =	swait.ge [sflag:s4], $0x0  }
0x19: {  	s7 =	sld [smem:$0x3F9F]  }
0x1a: {  	s8 =	sadd.s32 $0xFFFFE003, lr  }
0x1b: {  	s9 =	sadd.s32 $0xFFFFFEF7, lr;
	s5 =	simm.s32 $0xFFFFFFFF;
	p2 =	slt.u32 s8, $0xFFFFF086  }
0x1c: {  	p1 =	slt.u32 s9, $0xF7A;
	s5 =	simm.s32 @!p2 $0x0  }
0x1d: {  	s5 =	simm.s32 @p1 $0x1;
	p0 =	seq.s32 s7, s2  }
0x1e: {  	s7 =	smul.u32 @!p0 $0xF7A, s2;
	p2 =	seq.s32 @!p0 s5, $0x0  }
0x1f: {  	s9 =	smul.u32 $0xF7A, s1;
	s8 =	simm.s32 @!p0 $0x1BF5;
	p2 =	por !p2, p0  }
0x20: {  	[sflag:s8] =	ssyncset.s32 @!p0 $0xFFFFF086;
	s6 =	sadd.s32 @!p0 s3, s7;
	s7 =	simm.s32 @!p0 $0x108  }
0x21: {  	s3 =	sadd.s32 s3, s9;
	s6 =	sadd.s32 @!p0 $0x88, s6;
	s7 =	simm.s32 @p2 $0x1082  }
0x22: {  	[simem:s7], [sflag:s8] =	dma.local @!p0 [hbm:s6], $0xF7A  }
0x23: {  	s9 =	sor.u32 $0xD0000000, s2;
	s6 =	simm.s32 $0x108;
	_ =	swait.ge @!p0 [sflag:s8], $0x0  }
0x24: {  	s3 =	sadd.s32 $0x88, s3;
	s6 =	simm.s32 @!p1 $0x1082;
	[sflag:s4] =	ssyncset.s32 $0xFFFFF086  }
0x25: {  	[simem:s6], [sflag:s4] =	dma.local [hbm:s3], $0xF7A  }
0x26: {  	[smem:$0x3F9F] =	sst s1;
	(tag) =	ssettag s2;
	_ =	strace s9  }
0x27: {  	s1 =	sld [smem:$0x3FAF]  }
0x28: {  	s2 =	sld [smem:$0x3FB0]  }
0x29: {  	s4 =	sld [smem:$0x3FB2]  }
0x2a: {  	p0 =	seq.s32 s5, $0x0;
	s5 =	sld [smem:$0x3FB3]  }
0x2b: {  	s6 =	sld [smem:$0x3FB4]  }
0x2c: {  	s7 =	sld [smem:$0x3FB5]  }
0x2d: {  	s3 =	simm.s32 $0x108;
	s8 =	sld [smem:$0x3FB6]  }
0x2e: {  	s3 =	simm.s32 @!p0 $0x1082;
	s9 =	sld [smem:$0x3FB7]  }
0x2f: {  	lr =	sadd.s32 s0, s3;
	s0 =	sld [smem:$0x3FAE]  }
0x30: {  	s3 =	sld [smem:$0x3FB1]  }
0x31: {  	[smem:$0x3FBA] =	sst s10  }
0x32: {  	s10 =	sld [smem:$0x3FB8];
	_ =	sdelay $0x3  }
0x33: {  	p0 =	seq.s32 s10, $0x1;
	s10 =	sld [smem:$0x3FBA];
	_ =	sdelay $0x3  }
0x34: {  	[smem:$0x3FBA] =	sst s10  }
0x35: {  	s10 =	sld [smem:$0x3FB9];
	_ =	sdelay $0x3  }
0x36: {  	p1 =	seq.s32 s10, $0x1;
	s10 =	sld [smem:$0x3FBA];
	_ =	sdelay $0x3  }
0x37: {  	[smem:$0x3FBA] =	sst s10  }
0x38: {  	s10 =	sld [smem:$0x3FBB]  }
0x39: {  	_ = 	snop;
	(pc) =	sbr.ind lr, $3  }
0x3a: {  	_ = 	snop  }
0x3b: {  	_ = 	snop  }
0x3c: {  	p2 =	seq.s32 s10, $0x1;
	s10 =	sld [smem:$0x3FBA]  }
0x3d: {  	_ =	shalt  }
0x3e: {  	_ =	shalt  }
0x3f: {  	_ =	shalt  }
0x40: {  	_ =	shalt  }
0x41: {  	_ =	shalt  }
0x42: {  	_ =	shalt  }
0x43: {  	_ =	shalt  }
0x44: {  	_ =	shalt  }
0x45: {  	_ =	shalt  }
0x46: {  	_ =	shalt  }
0x47: {  	_ =	shalt  }
0x48: {  	_ =	shalt  }
0x49: {  	_ =	shalt  }
0x4a: {  	_ =	shalt  }
0x4b: {  	_ =	shalt  }
0x4c: {  	_ =	shalt  }
0x4d: {  	_ =	shalt  }
0x4e: {  	_ =	shalt  }
0x4f: {  	_ =	shalt  }
0x50: {  	_ =	shalt  }
0x51: {  	_ =	shalt  }
0x52: {  	_ =	shalt  }
0x53: {  	_ =	shalt  }
0x54: {  	_ =	shalt  }
0x55: {  	_ =	shalt  }
0x56: {  	_ =	shalt  }
0x57: {  	_ =	shalt  }
0x58: {  	_ =	shalt  }
0x59: {  	_ =	shalt  }
0x5a: {  	_ =	shalt  }
0x5b: {  	_ =	shalt  }
0x5c: {  	_ =	shalt  }
0x5d: {  	_ =	shalt  }
0x5e: {  	_ =	shalt  }
0x5f: {  	_ =	shalt  }
0x60: {  	_ =	shalt  }
0x61: {  	_ =	shalt  }
0x62: {  	_ =	shalt  }
0x63: {  	_ =	shalt  }
0x64: {  	_ =	shalt  }
0x65: {  	_ =	shalt  }
0x66: {  	_ =	shalt  }
0x67: {  	_ =	shalt  }
0x68: {  	_ =	shalt  }
0x69: {  	_ =	shalt  }
0x6a: {  	_ =	shalt  }
0x6b: {  	_ =	shalt  }
0x6c: {  	_ =	shalt  }
0x6d: {  	_ =	shalt  }
0x6e: {  	_ =	shalt  }
0x6f: {  	_ =	shalt  }
0x70: {  	_ =	shalt  }
0x71: {  	_ =	shalt  }
0x72: {  	_ =	shalt  }
0x73: {  	_ =	shalt  }
0x74: {  	_ =	shalt  }
0x75: {  	_ =	shalt  }
0x76: {  	_ =	shalt  }
0x77: {  	_ =	shalt  }
0x78: {  	_ =	shalt  }
0x79: {  	_ =	shalt  }
0x7a: {  	_ =	shalt  }
0x7b: {  	_ =	shalt  }
0x7c: {  	_ =	shalt  }
0x7d: {  	_ =	shalt  }
0x7e: {  	_ =	shalt  }
0x7f: {  	_ =	shalt  }
0x80: {  	_ =	shalt  }
0x81: {  	_ =	shalt  }
0x82: {  	_ =	shalt  }
0x83: {  	_ =	shalt  }
0x84: {  	_ =	shalt  }
0x85: {  	_ =	shalt  }
0x86: {  	_ =	shalt  }
0x87: {  	_ =	shalt  }
.Lfunc_end0:
.L_simem_size_0:
called_computation.1_lowered:
.L_overlay_start_0:
0x88: {  	s2 =	sld [smem:$0x3FD9]  }
0x89: {  	s3 =	sld [smem:$0x3FFE];
	_ =	sdelay $0x1  }
0x8a: {  	s1 =	srdreg.scid  }
0x8b: {  	s0 =	sand.u32 $0x1, s1  }
0x8c: {  	s17 =	sshll.u32 s0, $0xA;
	s2 =	sadd.s32 s3, s2  }
0x8d: {  	s2 =	sadd.s32 s2, s17  }
0x8e: {  	[smem:$0x3FC6] =	sst s2  }
0x8f: {  	_ = 	snop  }
0x90: {  	s2 =	sld [smem:$0x3FD0];
	(tm) =	ssettm $0x1  }
0x91: {  	s18 =	sld [smem:$0x3FFB];
	_ =	sdelay $0x3  }
0x92: {  	_ =	strace s18  }
0x93: {  	s3 =	sld [smem:$0x3FFC];
	_ =	sdelay $0x3  }
0x94: {  	_ =	strace s3  }
0x95: {  	s3 =	sld [smem:$0x3FFD];
	_ =	sdelay $0x3  }
0x96: {  	_ =	strace s3  }
0x97: {  	_ =	strace $0x8FFFFFFF  }
0x98: {  	s19 =	sld [smem:$0x3FDB];
	_ =	sdelay $0x1  }
0x99: {  	s4 =	simm.s32 $_scs_section_size  }
0x9a: {  	s5 =	simm.s32 $_size__tile_overlayer_lowered;
	s6 =	simm.s32 $_tile_overlayer_lowered  }
0x9b: {  	s22 =	simm.s32 $0x1BFF;
	s21 =	sshll.u32 s6, $0x1;
	s3 =	sadd.s32 s4, s19  }
0x9c: {  	s7 =	simm.s32 $0x0;
	s20 =	sshll.u32 s5, $0x1;
	s5 =	sadd.s32 s21, s3  }
0x9d: {  	[timem:s7], [sflag:s22] =	dma.local [hbm:s5], s20  }
0x9e: {  	_ =	swait.ge [sflag:s22], s20  }
0x9f: {  	s4 =	ssub.s32 $0x0, s20;
	[sflag:s22] =	ssyncset.done $0x0  }
0xa0: {  	[sflag:s22] =	ssyncadd.s32 s4;
	_ =	sdelay $0x1  }
0xa1: {  	s23 =	simm.s32 $0x1B8B  }
0xa2: {  	_ =	swait.ge [sflag:s23], $0x1  }
0xa3: {  	[sflag:s23] =	ssyncset.done $0x0  }
0xa4: {  	s25 =	simm.s32 $0x1B8E;
	s24 =	sld [smem:$0x3FFE];
	[sflag:s23] =	ssyncadd.s32 $0xFFFFFFFF  }
0xa5: {  	s26 =	simm.s32 $execute0_lowered;
	[smem:$0x3FD2] =	sst s25  }
0xa6: {  	s5 =	sshll.u32 s26, $0x1;
	_ =	strace $0x80000046;
	[dreg:$0x1] =	wrdreg $0xFFFFFFFF  }
0xa7: {  	s28 =	simm.s32 $_size_execute0_lowered;
	s3 =	sadd.s32 s3, s5;
	[dreg:$0x0] =	wrdreg $0x0  }
0xa8: {  	s5 =	sshll.u32 s28, $0x1;
	[dreg:$0x2] =	wrdreg s3  }
0xa9: {  	[dreg:$0x3] =	wrdreg s5  }
0xaa: {  	[dreg:$0x4] =	wrdreg $0xC0  }
0xab: {  	_ =	task [dreg:s7], $0x5FFFF  }
0xac: {  	[dreg:$0x1] =	wrdreg $0xFFFFFFFF  }
0xad: {  	[dreg:$0x0] =	wrdreg $0x60  }
0xae: {  	[dreg:$0x2] =	wrdreg s24  }
0xaf: {  	[dreg:$0x3] =	wrdreg s2  }
0xb0: {  	[dreg:$0x4] =	wrdreg $0x9  }
0xb1: {  	_ =	task.clear_ibuf [dreg:s7], $0x5FFFF;
	_ =	strace $0x90000046  }
0xb2: {  	s29 =	simm.s32 $0x9;
	_ =	strace $0x80000048  }
0xb3: {  	_ =	swait.ge [sflag:s29], $0x1  }
0xb4: {  	[sflag:s29] =	ssyncadd.s32 $0xFFFFFFFF  }
0xb5: {  	_ =	strace $0x90000048  }
0xb6: {  	_ =	sfence  }
0xb7: {  	s30 =	sld [smem:$0x0];
	_ =	sdelay $0x2  }
0xb8: {  	s31 =	sshll.u32 s1, $0xD;
	s1 =	sshrl.u32 s1, $0x2  }
0xb9: {  	s3 =	sand.u32 $0x4000, s31;
	s1 =	sadd.s32 s1, s30  }
0xba: {  	s0 =	sor.u32 s3, s0;
	s1 =	sshll.u32 s1, $0x11  }
0xbb: {  	s0 =	sor.u32 s1, s0  }
0xbc: {  	s0 =	sadd.s32 $0x8F2B, s0  }
0xbd: {  	[sflag:s0] =	ssyncadd.remote.s32 $0x1  }
0xbe: {  	_ =	sfence.sel $0xFFFF  }
0xbf: {  	[dreg:$0x0] =	wrdreg $0xFFFFFFFF;
	(pc) =	sbr.abs _section_cstart, $3  }
0xc0: {  	[dreg:$0x1] =	wrdreg $0xFFFFFFFF  }
0xc1: {  	_ =	task.clear_ibuf [dreg:s7], $0x2FFFF;
	_ =	strace $0x9FFFFFFF  }
0xc2: {  	(tm) =	ssettm $0x7FFFFFFF  }
0xc3: {  	_ =	shalt  }
tec
execute0_lowered:
.L_overlay_start_1:
0x0: {  	(tag) =	ssettag $0x1  }
0x1: {  	s4 =	rddreg [dreg:$0x0];
	s1 =	srdreg.scid  }
0x2: {  	s0 =	stileid.u32;
	s2 =	rddreg [dreg:$0x1]  }
0x3: {  	s3 =	simm.s32 $0x0;
	s10 =	simm.s32 $0x100;
	s11 =	simm.s32 $0x6400  }
0x4: {  	s12 =	simm.s32 $0xA400;
	s5 =	sand.u32 $0x1, s1;
	s6 =	sshll.u32 s0, $0x1  }
0x5: {  	s13 =	simm.s32 $0x1;
	s14 =	simm.s32 $0x2;
	s6 =	sor.u32 s5, s6  }
0x6: {  	s15 =	simm.s32 $0x0;
	s1 =	rddreg [dreg:$0x2];
	s7 =	smul.u32 $0xC80, s6  }
.Ltmp0:
0x7: {  	[smem:$0x7FF] =	sst s3;
	s5 =	ssub.s32 $0x2, s5;
	(pc) =	sbr.rel .LBB2_1-.Ltmp0, $4  }
0x8: {  	_ =	strace $0x80000047;
	s8 =	sshrl.u32 s5, $0x1;
	s9 =	smul.u32 $0x32000, s6  }
0x9: {  	s6 =	smul.u32 $0x190000, s6;
	s8 =	ssub.s32 s5, s8;
	s7 =	sadd.s32 s7, s4  }
0xa: {  	s4 =	sadd.s32 $0xF42E00, s4;
	s9 =	sadd.s32 s9, s2;
	s5 =	sadd.s32 $0xA00, s7  }
0xb: {  	s7 =	smax.u32 s8, $0x1;
	s8 =	sadd.s32 $0x800, s9;
	s9 =	simm.s32 $0x3  }
.LBB2_8:
0xc: {  	s15 =	sadd.s32 $0x1, s15  }
0xd: {  	p0 =	sne.s32 s15, s7  }
.Ltmp1:
0xe: {  	_ = 	snop;
	(pc) =	sbr.rel @!p0 .LBB2_9-.Ltmp1, $1  }
0xf: {  	_ =	sdelay $0x3  }
.LBB2_1:
0x10: {  	[tilespmem:s3], [sflag:$0x3] =	stream.linear.gather [hbm4b:s5+s3], $0x6400, $0x38;
	[tilespmem:$0xE400] =	vst v63  }
0x11: {  	_ =	swait.ge [sflag:s9], $0x6400  }
0x12: {  	[sflag:s9] =	ssyncset.done $0x0  }
0x13: {  	[sflag:s9] =	ssyncadd.s32 $0xFFFF9C00  }
0x14: {  	[tilespmem:s11], [sflag:$0x1] =	stream.indirect.gather [hbm4b:s4+s10], $0x40, s3, s10, $0xb8;
	[tilespmem:$0xE400] =	vst v63  }
0x15: {  	s16 =	simm.s32 $0x0  }
0x16: {  	[tilespmem:s12], [sflag:$0x2] =	stream.indirect.gather [hbm4b:s4+s10], $0x40, s10, s10, $0xb8;
	[tilespmem:$0xE400] =	vst v63  }
.LBB2_2:
0x17: {  	_ =	swait.ge [sflag:s13], $0x4000  }
0x18: {  	[sflag:s13] =	ssyncset.done $0x0  }
0x19: {  	s17 =	simm.s32 $0x0;
	[sflag:s13] =	ssyncadd.s32 $0xFFFFC000  }
0x1a: {  	v0 =	vld [tilespmem:s17+$0x6400]  }
0x1b: {  	v1 =	vld [tilespmem:s17+$0x6410]  }
0x1c: {  	v2 =	vld [tilespmem:s17+$0x6420]  }
0x1d: {  	v3 =	vld [tilespmem:s17+$0x6430]  }
0x1e: {  	v4 =	vld [tilespmem:s17+$0x6440]  }
0x1f: {  	v5 =	vld [tilespmem:s17+$0x6450];
	v0 =	vmul.f32 $8.000000000e+00, v0  }
0x20: {  	v6 =	vld [tilespmem:s17+$0x6460];
	v1 =	vmul.f32 $8.000000000e+00, v1  }
0x21: {  	v7 =	vld [tilespmem:s17+$0x6470];
	[tilespmem:s17+$0x6400] =	vst v0;
	v0 =	vmul.f32 $8.000000000e+00, v2  }
0x22: {  	v8 =	vld [tilespmem:s17+$0x6480];
	[tilespmem:s17+$0x6410] =	vst v1;
	v1 =	vmul.f32 $8.000000000e+00, v3  }
0x23: {  	v9 =	vld [tilespmem:s17+$0x6490];
	[tilespmem:s17+$0x6420] =	vst v0;
	v0 =	vmul.f32 $8.000000000e+00, v4  }
0x24: {  	v2 =	vmul.f32 $8.000000000e+00, v5;
	[tilespmem:s17+$0x6430] =	vst v1;
	v1 =	vld [tilespmem:s17+$0x64A0]  }
0x25: {  	v3 =	vmul.f32 $8.000000000e+00, v6;
	[tilespmem:s17+$0x6440] =	vst v0;
	v0 =	vld [tilespmem:s17+$0x64B0]  }
0x26: {  	[tilespmem:s17+$0x6450] =	vst v2;
	v2 =	vld [tilespmem:s17+$0x64C0];
	v4 =	vmul.f32 $8.000000000e+00, v7  }
0x27: {  	v6 =	vmul.f32 $8.000000000e+00, v8;
	[tilespmem:s17+$0x6460] =	vst v3;
	v3 =	vld [tilespmem:s17+$0x64D0]  }
0x28: {  	s18 =	simm.s32 $0x400;
	v5 =	vmul.f32 $8.000000000e+00, v9;
	[tilespmem:s17+$0x6470] =	vst v4;
	v4 =	vld [tilespmem:s17+$0x64E0]  }
.LBB2_3:
0x29: {  	s19 =	sshra.s32 s18, $0x2;
	p0 =	sne.s32 s18, $0xFC00;
	[tilespmem:s17+$0x6480] =	vst v6;
	v1 =	vmul.f32 $8.000000000e+00, v1;
	v6 =	vld [tilespmem:s17+$0x64F0]  }
0x2a: {  	v7 =	vld [tilespmem:s19+$0x6400];
	[tilespmem:s17+$0x6490] =	vst v5;
	v0 =	vmul.f32 $8.000000000e+00, v0  }
0x2b: {  	v5 =	vld [tilespmem:s19+$0x6410];
	[tilespmem:s17+$0x64A0] =	vst v1;
	v1 =	vmul.f32 $8.000000000e+00, v2  }
0x2c: {  	v2 =	vld [tilespmem:s19+$0x6420];
	[tilespmem:s17+$0x64B0] =	vst v0;
	v0 =	vmul.f32 $8.000000000e+00, v3  }
0x2d: {  	v3 =	vld [tilespmem:s19+$0x6430];
	[tilespmem:s17+$0x64C0] =	vst v1;
	v1 =	vmul.f32 $8.000000000e+00, v4  }
0x2e: {  	v4 =	vld [tilespmem:s19+$0x6440];
	[tilespmem:s17+$0x64D0] =	vst v0;
	v0 =	vmul.f32 $8.000000000e+00, v6  }
0x2f: {  	v6 =	vmul.f32 $8.000000000e+00, v7;
	v7 =	vld [tilespmem:s19+$0x6450];
	[tilespmem:s17+$0x64E0] =	vst v1  }
0x30: {  	v1 =	vmul.f32 $8.000000000e+00, v5;
	v5 =	vld [tilespmem:s19+$0x6460];
	[tilespmem:s17+$0x64F0] =	vst v0;
	s17 =	smov.u32 s19  }
0x31: {  	[tilespmem:s17+$0x6400] =	vst v6;
	v0 =	vmul.f32 $8.000000000e+00, v2;
	v2 =	vld [tilespmem:s17+$0x6470]  }
0x32: {  	[tilespmem:s17+$0x6410] =	vst v1;
	v1 =	vmul.f32 $8.000000000e+00, v3;
	v3 =	vld [tilespmem:s17+$0x6480]  }
0x33: {  	[tilespmem:s17+$0x6420] =	vst v0;
	v0 =	vmul.f32 $8.000000000e+00, v4;
	v4 =	vld [tilespmem:s17+$0x6490]  }
.Ltmp2:
0x34: {  	[tilespmem:s17+$0x6430] =	vst v1;
	v6 =	vmul.f32 $8.000000000e+00, v7;
	v1 =	vld [tilespmem:s17+$0x64A0];
	(pc) =	sbr.rel @p0 .LBB2_3-.Ltmp2, $4  }
0x35: {  	[tilespmem:s17+$0x6440] =	vst v0;
	v5 =	vmul.f32 $8.000000000e+00, v5;
	v0 =	vld [tilespmem:s17+$0x64B0]  }
0x36: {  	[tilespmem:s17+$0x6450] =	vst v6;
	v7 =	vmul.f32 $8.000000000e+00, v2;
	v2 =	vld [tilespmem:s17+$0x64C0]  }
0x37: {  	[tilespmem:s17+$0x6460] =	vst v5;
	v6 =	vmul.f32 $8.000000000e+00, v3;
	v3 =	vld [tilespmem:s17+$0x64D0]  }
0x38: {  	s18 =	sadd.s32 $0x400, s18;
	[tilespmem:s17+$0x6470] =	vst v7;
	v5 =	vmul.f32 $8.000000000e+00, v4;
	v4 =	vld [tilespmem:s17+$0x64E0]  }
0x39: {  	[tilespmem:s17+$0x6480] =	vst v6;
	v1 =	vmul.f32 $8.000000000e+00, v1;
	v6 =	vld [tilespmem:s17+$0x64F0]  }
0x3a: {  	[tilespmem:s17+$0x6490] =	vst v5;
	v0 =	vmul.f32 $8.000000000e+00, v0  }
0x3b: {  	[tilespmem:s17+$0x64A0] =	vst v1;
	v1 =	vmul.f32 $8.000000000e+00, v2  }
0x3c: {  	[tilespmem:s17+$0x64B0] =	vst v0;
	v0 =	vmul.f32 $8.000000000e+00, v3  }
0x3d: {  	s18 =	sshll.u32 s16, $0xF;
	[tilespmem:s17+$0x64C0] =	vst v1;
	v1 =	vmul.f32 $8.000000000e+00, v4  }
0x3e: {  	s18 =	sadd.s32 s6, s18;
	[tilespmem:s17+$0x64D0] =	vst v0;
	v0 =	vmul.f32 $8.000000000e+00, v6  }
0x3f: {  	s18 =	sshrl.u32 s18, $0x3;
	[tilespmem:s17+$0x64E0] =	vst v1  }
0x40: {  	s31 =	sadd.s32 s2, s18;
	[tilespmem:s17+$0x64F0] =	vst v0  }
0x41: {  	[hbm4b:s31+s3] =	stream.linear.scatter [tilespmem:s11], [sflag:$0x3], $0x4000, $0x38;
	[tilespmem:$0xE400] =	vst v63  }
0x42: {  	p0 =	seq.s32 s16, $0x31;
	s17 =	sshll.u32 s16, $0xB;
	_ =	swait.ge [sflag:s9], $0x4000  }
0x43: {  	s19 =	simm.s32 @!p0 $0x100;
	s18 =	sshrl.u32 @!p0 s17, $0x2;
	[sflag:s9] =	ssyncset.done $0x0  }
0x44: {  	s20 =	simm.s32 @!p0 $0x6400;
	s18 =	sadd.s32 @!p0 $0x200, s18;
	[sflag:s9] =	ssyncadd.s32 $0xFFFFC000  }
0x45: {  	[tilespmem:s20], [sflag:$0x1] =	stream.indirect.gather @!p0 [hbm4b:s4+s19], $0x40, s18, s19, $0xb8;
	[tilespmem:$0xE400] =	vst v63  }
0x46: {  	_ =	swait.ge [sflag:s14], $0x4000  }
0x47: {  	[sflag:s14] =	ssyncset.done $0x0  }
0x48: {  	s18 =	simm.s32 $0x0;
	[sflag:s14] =	ssyncadd.s32 $0xFFFFC000  }
0x49: {  	v0 =	vld [tilespmem:s18+$0xA400]  }
0x4a: {  	v1 =	vld [tilespmem:s18+$0xA410]  }
0x4b: {  	v2 =	vld [tilespmem:s18+$0xA420]  }
0x4c: {  	v3 =	vld [tilespmem:s18+$0xA430]  }
0x4d: {  	v4 =	vld [tilespmem:s18+$0xA440]  }
0x4e: {  	v5 =	vld [tilespmem:s18+$0xA450];
	v0 =	vmul.f32 $8.000000000e+00, v0  }
0x4f: {  	v6 =	vld [tilespmem:s18+$0xA460];
	v1 =	vmul.f32 $8.000000000e+00, v1  }
0x50: {  	v7 =	vld [tilespmem:s18+$0xA470];
	[tilespmem:s18+$0xA400] =	vst v0;
	v0 =	vmul.f32 $8.000000000e+00, v2  }
0x51: {  	v8 =	vld [tilespmem:s18+$0xA480];
	[tilespmem:s18+$0xA410] =	vst v1;
	v1 =	vmul.f32 $8.000000000e+00, v3  }
0x52: {  	v9 =	vld [tilespmem:s18+$0xA490];
	[tilespmem:s18+$0xA420] =	vst v0;
	v0 =	vmul.f32 $8.000000000e+00, v4  }
0x53: {  	v2 =	vmul.f32 $8.000000000e+00, v5;
	[tilespmem:s18+$0xA430] =	vst v1;
	v1 =	vld [tilespmem:s18+$0xA4A0]  }
0x54: {  	v3 =	vmul.f32 $8.000000000e+00, v6;
	[tilespmem:s18+$0xA440] =	vst v0;
	v0 =	vld [tilespmem:s18+$0xA4B0]  }
0x55: {  	[tilespmem:s18+$0xA450] =	vst v2;
	v2 =	vld [tilespmem:s18+$0xA4C0];
	v4 =	vmul.f32 $8.000000000e+00, v7  }
0x56: {  	v6 =	vmul.f32 $8.000000000e+00, v8;
	[tilespmem:s18+$0xA460] =	vst v3;
	v3 =	vld [tilespmem:s18+$0xA4D0]  }
0x57: {  	s19 =	simm.s32 $0x400;
	v5 =	vmul.f32 $8.000000000e+00, v9;
	[tilespmem:s18+$0xA470] =	vst v4;
	v4 =	vld [tilespmem:s18+$0xA4E0]  }
.LBB2_5:
0x58: {  	s20 =	sshra.s32 s19, $0x2;
	p1 =	sne.s32 s19, $0xFC00;
	[tilespmem:s18+$0xA480] =	vst v6;
	v1 =	vmul.f32 $8.000000000e+00, v1;
	v6 =	vld [tilespmem:s18+$0xA4F0]  }
0x59: {  	v7 =	vld [tilespmem:s20+$0xA400];
	[tilespmem:s18+$0xA490] =	vst v5;
	v0 =	vmul.f32 $8.000000000e+00, v0  }
0x5a: {  	v5 =	vld [tilespmem:s20+$0xA410];
	[tilespmem:s18+$0xA4A0] =	vst v1;
	v1 =	vmul.f32 $8.000000000e+00, v2  }
0x5b: {  	v2 =	vld [tilespmem:s20+$0xA420];
	[tilespmem:s18+$0xA4B0] =	vst v0;
	v0 =	vmul.f32 $8.000000000e+00, v3  }
0x5c: {  	v3 =	vld [tilespmem:s20+$0xA430];
	[tilespmem:s18+$0xA4C0] =	vst v1;
	v1 =	vmul.f32 $8.000000000e+00, v4  }
0x5d: {  	v4 =	vld [tilespmem:s20+$0xA440];
	[tilespmem:s18+$0xA4D0] =	vst v0;
	v0 =	vmul.f32 $8.000000000e+00, v6  }
0x5e: {  	v6 =	vmul.f32 $8.000000000e+00, v7;
	v7 =	vld [tilespmem:s20+$0xA450];
	[tilespmem:s18+$0xA4E0] =	vst v1  }
0x5f: {  	v1 =	vmul.f32 $8.000000000e+00, v5;
	v5 =	vld [tilespmem:s20+$0xA460];
	[tilespmem:s18+$0xA4F0] =	vst v0;
	s18 =	smov.u32 s20  }
0x60: {  	[tilespmem:s18+$0xA400] =	vst v6;
	v0 =	vmul.f32 $8.000000000e+00, v2;
	v2 =	vld [tilespmem:s18+$0xA470]  }
0x61: {  	[tilespmem:s18+$0xA410] =	vst v1;
	v1 =	vmul.f32 $8.000000000e+00, v3;
	v3 =	vld [tilespmem:s18+$0xA480]  }
0x62: {  	[tilespmem:s18+$0xA420] =	vst v0;
	v0 =	vmul.f32 $8.000000000e+00, v4;
	v4 =	vld [tilespmem:s18+$0xA490]  }
.Ltmp3:
0x63: {  	[tilespmem:s18+$0xA430] =	vst v1;
	v6 =	vmul.f32 $8.000000000e+00, v7;
	v1 =	vld [tilespmem:s18+$0xA4A0];
	(pc) =	sbr.rel @p1 .LBB2_5-.Ltmp3, $4  }
0x64: {  	[tilespmem:s18+$0xA440] =	vst v0;
	v5 =	vmul.f32 $8.000000000e+00, v5;
	v0 =	vld [tilespmem:s18+$0xA4B0]  }
0x65: {  	[tilespmem:s18+$0xA450] =	vst v6;
	v7 =	vmul.f32 $8.000000000e+00, v2;
	v2 =	vld [tilespmem:s18+$0xA4C0]  }
0x66: {  	[tilespmem:s18+$0xA460] =	vst v5;
	v6 =	vmul.f32 $8.000000000e+00, v3;
	v3 =	vld [tilespmem:s18+$0xA4D0]  }
0x67: {  	s19 =	sadd.s32 $0x400, s19;
	[tilespmem:s18+$0xA470] =	vst v7;
	v5 =	vmul.f32 $8.000000000e+00, v4;
	v4 =	vld [tilespmem:s18+$0xA4E0]  }
0x68: {  	[tilespmem:s18+$0xA480] =	vst v6;
	v1 =	vmul.f32 $8.000000000e+00, v1;
	v59 =	vld [tilespmem:s18+$0xA4F0]  }
0x69: {  	[tilespmem:s18+$0xA490] =	vst v5;
	v0 =	vmul.f32 $8.000000000e+00, v0  }
0x6a: {  	[tilespmem:s18+$0xA4A0] =	vst v1;
	v60 =	vmul.f32 $8.000000000e+00, v2  }
0x6b: {  	[tilespmem:s18+$0xA4B0] =	vst v0;
	v61 =	vmul.f32 $8.000000000e+00, v3  }
0x6c: {  	[tilespmem:s18+$0xA4C0] =	vst v60;
	v62 =	vmul.f32 $8.000000000e+00, v4  }
0x6d: {  	[tilespmem:s18+$0xA4D0] =	vst v61;
	v63 =	vmul.f32 $8.000000000e+00, v59  }
0x6e: {  	s19 =	sshll.u32 s16, $0xC;
	[tilespmem:s18+$0xA4E0] =	vst v62  }
.Ltmp4:
0x6f: {  	s31 =	sadd.s32 s8, s19;
	[tilespmem:s18+$0xA4F0] =	vst v63;
	(pc) =	sbr.rel @p0 .LBB2_8-.Ltmp4, $4  }
0x70: {  	[hbm4b:s31+s3] =	stream.linear.scatter [tilespmem:s12], [sflag:$0x3], $0x4000, $0x38;
	[tilespmem:$0xE400] =	vst v63  }
0x71: {  	_ =	swait.ge [sflag:s9], $0x4000  }
0x72: {  	[sflag:s9] =	ssyncset.done $0x0  }
0x73: {  	[sflag:s9] =	ssyncadd.s32 $0xFFFFC000  }
.Ltmp5:
0x74: {  	(pc) =	sbr.rel .LBB2_2-.Ltmp5, $4  }
0x75: {  	_ = 	snop  }
0x76: {  	s17 =	sshrl.u32 s17, $0x2  }
0x77: {  	s16 =	sadd.s32 $0x1, s16;
	s17 =	sadd.s32 $0x300, s17  }
0x78: {  	[tilespmem:s12], [sflag:$0x2] =	stream.indirect.gather [hbm4b:s4+s10], $0x40, s17, s10, $0xb8;
	[tilespmem:$0xE400] =	vst v63  }
.LBB2_9:
0x79: {  	_ =	sfence.sel $0x180000  }
0x7a: {  	[bflag:$0x0] =	sbarrier.arrive $0xFFFF  }
0x7b: {  	p0 =	sne.s32 s0, $0x0;
	_ =	strace $0x90000047  }
0x7c: {  	s0 =	sadd.s32 @!p0 $0x100000, s1;
	[bflag:$0x2] =	sbarrier.arrive $0xFFFF  }
0x7d: {  	[sflag:s0] =	ssyncadd.tile.s32 @!p0 $0x1;
	_ =	shalt  }
.Lfunc_end2:
_tile_overlayer_lowered:
.L_overlay_start_2:
0x7e: {  	(tag) =	ssettag $0x2  }
0x7f: {  	s0 =	rddreg [dreg:$0x0];
	s2 =	stileid.u32  }
0x80: {  	s1 =	rddreg [dreg:$0x1];
	p0 =	sne.s32 s2, $0x0  }
0x81: {  	s3 =	rddreg [dreg:$0x2];
	[bflag:$0x3] =	sbarrier.arrive $0xFFFF;
	s2 =	simm.s32 @!p0 $0x1C03  }
0x82: {  	[timem:s3], [sflag:s2] =	dma.local @!p0 [hbm:s0], s1  }
0x83: {  	s0 =	simm.s32 @!p0 $0x3  }
0x84: {  	_ =	swait.ge @!p0 [sflag:s0], s1  }
0x85: {  	s1 =	ssub.s32 @!p0 $0x0, s1;
	[sflag:s0] =	ssyncset.done @!p0 $0x0  }
0x86: {  	[sflag:s0] =	ssyncadd.s32 @!p0 s1  }
0x87: {  	[bflag:$0x3] =	sbarrier.arrive $0xFFFF  }
0x88: {  	_ =	shalt  }

// kernel: sparse-core-data-format-call.cloned.1.call-start
scs
called_computation_lowered:
.L_overlay_start_0:
0x0: {  	s2 =	sld [smem:$0x3FD9]  }
0x1: {  	s3 =	sld [smem:$0x3FFE];
	_ =	sdelay $0x1  }
0x2: {  	s1 =	srdreg.scid  }
0x3: {  	s0 =	sand.u32 $0x1, s1  }
0x4: {  	s18 =	sshll.u32 s0, $0xA;
	s2 =	sadd.s32 s3, s2  }
0x5: {  	s2 =	sadd.s32 s2, s18  }
0x6: {  	[smem:$0x3FC6] =	sst s2  }
0x7: {  	_ = 	snop  }
0x8: {  	s2 =	sld [smem:$0x3FD0];
	(tm) =	ssettm $0x1  }
0x9: {  	s19 =	sld [smem:$0x3FFB];
	_ =	sdelay $0x3  }
0xa: {  	_ =	strace s19  }
0xb: {  	s3 =	sld [smem:$0x3FFC];
	_ =	sdelay $0x3  }
0xc: {  	_ =	strace s3  }
0xd: {  	s3 =	sld [smem:$0x3FFD];
	_ =	sdelay $0x3  }
0xe: {  	_ =	strace s3  }
0xf: {  	_ =	strace $0x8FFFFFFF  }
0x10: {  	s20 =	sld [smem:$0x3FDB];
	_ =	sdelay $0x1  }
0x11: {  	s4 =	simm.s32 $_scs_section_size  }
0x12: {  	s5 =	simm.s32 $_size__tile_overlayer_lowered;
	s6 =	simm.s32 $_tile_overlayer_lowered  }
0x13: {  	s23 =	simm.s32 $0x1BFF;
	s22 =	sshll.u32 s6, $0x1;
	s3 =	sadd.s32 s4, s20  }
0x14: {  	s7 =	simm.s32 $0x0;
	s21 =	sshll.u32 s5, $0x1;
	s5 =	sadd.s32 s22, s3  }
0x15: {  	[timem:s7], [sflag:s23] =	dma.local [hbm:s5], s21  }
0x16: {  	_ =	swait.ge [sflag:s23], s21  }
0x17: {  	s4 =	ssub.s32 $0x0, s21;
	[sflag:s23] =	ssyncset.done $0x0  }
0x18: {  	[sflag:s23] =	ssyncadd.s32 s4;
	_ =	sdelay $0x1  }
0x19: {  	s24 =	simm.s32 $0x1B8B  }
0x1a: {  	_ =	swait.ge [sflag:s24], $0x1  }
0x1b: {  	[sflag:s24] =	ssyncset.done $0x0  }
0x1c: {  	s26 =	simm.s32 $0x1B8E;
	s25 =	sld [smem:$0x3FFE];
	[sflag:s24] =	ssyncadd.s32 $0xFFFFFFFF  }
0x1d: {  	s27 =	simm.s32 $execute0_lowered;
	[smem:$0x3FD2] =	sst s26  }
0x1e: {  	s5 =	sshll.u32 s27, $0x1;
	_ =	strace $0x80000049;
	[dreg:$0x1] =	wrdreg $0xFFFFFFFF  }
0x1f: {  	s28 =	simm.s32 $_size_execute0_lowered;
	s3 =	sadd.s32 s3, s5;
	[dreg:$0x0] =	wrdreg $0x0  }
0x20: {  	s5 =	sshll.u32 s28, $0x1;
	[dreg:$0x2] =	wrdreg s3  }
0x21: {  	[dreg:$0x3] =	wrdreg s5  }
0x22: {  	[dreg:$0x4] =	wrdreg $0xC0  }
0x23: {  	_ =	task [dreg:s7], $0x5FFFF  }
0x24: {  	[dreg:$0x1] =	wrdreg $0xFFFFFFFF  }
0x25: {  	[dreg:$0x0] =	wrdreg $0x60  }
0x26: {  	[dreg:$0x2] =	wrdreg s25  }
0x27: {  	[dreg:$0x3] =	wrdreg s2  }
0x28: {  	[dreg:$0x4] =	wrdreg $0x9  }
0x29: {  	_ =	task.clear_ibuf [dreg:s7], $0x5FFFF;
	_ =	strace $0x90000049  }
0x2a: {  	s29 =	simm.s32 $0x9;
	_ =	strace $0x8000004B  }
0x2b: {  	_ =	swait.ge [sflag:s29], $0x1  }
0x2c: {  	[sflag:s29] =	ssyncadd.s32 $0xFFFFFFFF  }
0x2d: {  	_ =	strace $0x9000004B  }
0x2e: {  	_ =	sfence  }
0x2f: {  	s30 =	sld [smem:$0x0];
	_ =	sdelay $0x2  }
0x30: {  	s31 =	sshll.u32 s1, $0xD;
	s1 =	sshrl.u32 s1, $0x2  }
0x31: {  	s3 =	sand.u32 $0x4000, s31;
	s1 =	sadd.s32 s1, s30  }
0x32: {  	s0 =	sor.u32 s3, s0;
	s1 =	sshll.u32 s1, $0x11  }
0x33: {  	s0 =	sor.u32 s1, s0  }
0x34: {  	s0 =	sadd.s32 $0x8F2B, s0  }
0x35: {  	[sflag:s0] =	ssyncadd.remote.s32 $0x1  }
0x36: {  	_ =	sfence.sel $0xFFFF  }
0x37: {  	[dreg:$0x0] =	wrdreg $0xFFFFFFFF;
	(pc) =	sbr.abs _section_cstart, $3  }
0x38: {  	[dreg:$0x1] =	wrdreg $0xFFFFFFFF  }
0x39: {  	_ =	task.clear_ibuf [dreg:s7], $0x2FFFF;
	_ =	strace $0x9FFFFFFF  }
0x3a: {  	(tm) =	ssettm $0x7FFFFFFF  }
0x3b: {  	_ =	shalt  }
tec
execute0_lowered:
.L_overlay_start_1:
0x0: {  	(tag) =	ssettag $0x1  }
0x1: {  	s0 =	srdreg.scid  }
0x2: {  	s1 =	sshll.u32 s0, $0x4  }
0x3: {  	s0 =	stileid.u32;
	s1 =	sand.u32 $0x10, s1  }
0x4: {  	s1 =	sor.u32 s0, s1  }
0x5: {  	s6 =	rddreg [dreg:$0x0];
	s4 =	simm.s32 $0x1;
	s2 =	sshll.u32 s1, $0x7  }
0x6: {  	s7 =	simm.s32 $0x2;
	s12 =	simm.s32 $0x0;
	s1 =	ssub.s32 $0x4000, s2  }
0x7: {  	s8 =	simm.s32 $0x20000;
	s13 =	simm.s32 $0x0;
	s3 =	sand.u32 $0xF80, s1  }
0x8: {  	s9 =	simm.s32 $0x0;
	s5 =	sshrl.u32 s1, $0xC;
	p0 =	sne.s32 s3, $0x0  }
.Ltmp0:
0x9: {  	s1 =	rddreg [dreg:$0x2];
	s4 =	simm.s32 @!p0 $0x0;
	(pc) =	sbr.rel .LBB1_1-.Ltmp0, $4  }
0xa: {  	s11 =	simm.s32 $0x0;
	s3 =	rddreg [dreg:$0x1];
	s5 =	sadd.s32 s4, s5  }
0xb: {  	_ =	strace $0x8000004A;
	s4 =	simm.s32 $0x1;
	s5 =	smul.u32 $0x32, s5  }
0xc: {  	s6 =	sadd.s32 $0xA00, s6;
	s10 =	smov.u32 s2;
	[sflag:s4] =	ssyncpa.u1 $0x0  }
0xd: {  	p0 =	por $0x0, $0x0;
	[sflag:s7] =	ssyncpa.u1 $0x0;
	s7 =	sor.u32 $0x1, s5  }
.LBB1_4:
0xe: {  	s16 =	sshll.u32 s13, $0x3;
	s17 =	sand.u32 $0x78, s13  }
0xf: {  	s30 =	sand.u32 $0x1F800, s13;
	s12 =	sshll.u32 s12, $0x11;
	s16 =	sand.u32 $0x3C00, s16  }
0x10: {  	[tilespmem:s15+$0x810 ss:$0x81] =	vst.msk $0xffff, v2;
	s31 =	sand.u32 $0x7, s13;
	s16 =	sor.u32 s17, s16;
	s17 =	sadd.s32 s3, s30  }
0x11: {  	[tilespmem:s15+$0x1020 ss:$0x81] =	vst.msk $0xffff, v0;
	s13 =	sshll.u32 s31, $0x12;
	s12 =	sadd.s32 s12, s17;
	s16 =	sshrl.u32 s16, $0x3  }
0x12: {  	[tilespmem:s15+$0x0 ss:$0x81] =	vst.msk $0xffff, v1;
	s13 =	sor.u32 $0x400, s13;
	s12 =	sadd.s32 s16, s12  }
0x13: {  	[hbm4b:s12+s13] =	stream.strided.scatter [tilespmem:s14], [sflag:$0x2], $0x2000, s8, s13, $0x20;
	[tilespmem:$0x8080] =	vst v63  }
.LBB1_5:
0x14: {  	s14 =	sadd.s32 $0x1, s9  }
0x15: {  	s12 =	sadd.s32 $0x1000, s10;
	s16 =	smov.u32 s10;
	p2 =	sgt.s32 s14, $0x31  }
0x16: {  	s16 =	smov.u32 @p2 s12  }
0x17: {  	s14 =	simm.s32 @p2 $0x0;
	p2 =	sgt.s32 s16, $0x3FFF  }
0x18: {  	s16 =	smov.u32 @p2 s2;
	p2 =	sne.s32 s11, s7  }
.Ltmp1:
0x19: {  	p1 =	slt.u32 s11, $0x2;
	(pc) =	sbr.rel @!p2 .LBB1_6-.Ltmp1, $4  }
0x1a: {  	s15 =	simm.s32 @!p1 $0x2  }
0x1b: {  	s13 =	smov.u32 s10;
	p0 =	por !p0, !p0;
	_ =	swait.ge @!p1 [sflag:s15], $0x2000  }
0x1c: {  	s12 =	smov.u32 s9;
	[sflag:s15] =	ssyncset.done @!p1 $0x0;
	s9 =	smov.u32 s14  }
0x1d: {  	s11 =	sadd.s32 $0x1, s11;
	[sflag:s15] =	ssyncadd.s32 @!p1 $0xFFFFE000;
	s10 =	smov.u32 s16  }
.LBB1_1:
0x1e: {  	p1 =	sge.u32 s11, s5  }
0x1f: {  	s14 =	sand.u32 @!p1 $0x1FFFFFF, s9  }
0x20: {  	s15 =	smulhi.u32 @!p1 $0x4924925, s14;
	_ =	sdelay $0x1  }
0x21: {  	s15 =	smul.u32 @!p1 $0x38, s15  }
0x22: {  	s16 =	sxor.u32 @!p1 $0xFFFFFFFF, s11;
	s17 =	smul.u32 @!p1 $0x380, s10  }
0x23: {  	s31 =	sadd.s32 $0xFFFFFFFF, s11;
	s16 =	sshll.u32 @!p1 s16, $0xD;
	s14 =	ssub.s32 @!p1 s14, s15  }
0x24: {  	s15 =	sand.u32 @!p1 $0x2000, s16;
	s16 =	sadd.s32 @!p1 s6, s17;
	s14 =	sshll.u32 @!p1 s14, $0x4  }
0x25: {  	s17 =	simm.s32 @!p1 $0x1C00;
	s14 =	sadd.s32 @!p1 s14, s16;
	s16 =	simm.s32 @!p1 $0x40  }
0x26: {  	[tilespmem:s15], [sflag:$0x1] =	stream.strided.gather @!p1 [hbm4b:s14+s16], $0x2000, s17, s16, $0x38;
	[tilespmem:$0x8080] =	vst v63  }
0x27: {  	p1 =	sge.u32 s31, s5  }
.Ltmp2:
0x28: {  	_ = 	snop;
	(pc) =	sbr.rel @p1 .LBB1_5-.Ltmp2, $1  }
0x29: {  	_ =	sdelay $0x3  }
0x2a: {  	s14 =	simm.s32 $0x1  }
0x2b: {  	_ =	swait.ge [sflag:s4], $0x2000;
	s14 =	simm.s32 @!p0 $0x0  }
0x2c: {  	[sflag:s4] =	ssyncset.done $0x0;
	s15 =	sshll.u32 s14, $0xD  }
0x2d: {  	[sflag:s4] =	ssyncadd.s32 $0xFFFFE000;
	s18 =	sor.u32 $0x20, s15  }
0x2e: {  	s14 =	smul.u32 $0x8100, s14;
	v3 =	vld [tilespmem:s18+$0x10]  }
0x2f: {  	s30 =	sand.u32 $0x1, s11;
	v2 =	vld [tilespmem:s18+$0xFFFFFFF0]  }
0x30: {  	s15 =	smul.u32 $0x8100, s30;
	s14 =	sshrl.u32 s14, $0x2;
	v0 =	vld [tilespmem:s18+$0x0]  }
0x31: {  	v1 =	vld [tilespmem:s18+$0xFFFFFFE0];
	s16 =	sor.u32 $0x4000, s14  }
0x32: {  	s31 =	sshrl.u32 s15, $0x2;
	s15 =	sadd.s32 $0x0, s16  }
0x33: {  	s17 =	simm.s32 $0x4;
	s18 =	sadd.s32 $0x40, s18;
	s14 =	sor.u32 $0x4000, s31;
	[tilespmem:s15+$0x1830 ss:$0x81] =	vst.msk $0xffff, v3  }
.LBB1_3:
0x34: {  	v3 =	vld [tilespmem:s18+$0x10];
	p1 =	sne.s32 s17, $0x1FC;
	[tilespmem:s15+$0x810 ss:$0x81] =	vst.msk $0xffff, v2;
	s19 =	smov.u32 s17;
	s17 =	sadd.s32 $0x4, s17  }
.Ltmp3:
0x35: {  	v2 =	vld [tilespmem:s18+$0xFFFFFFF0];
	[tilespmem:s15+$0x1020 ss:$0x81] =	vst.msk $0xffff, v0;
	(pc) =	sbr.rel @p1 .LBB1_3-.Ltmp3, $4  }
0x36: {  	v0 =	vld [tilespmem:s18+$0x0];
	[tilespmem:s15+$0x0 ss:$0x81] =	vst.msk $0xffff, v1  }
0x37: {  	s15 =	sshra.s32 s19, $0x2;
	v1 =	vld [tilespmem:s18+$0xFFFFFFE0]  }
0x38: {  	s15 =	sadd.s32 s15, s16  }
0x39: {  	s18 =	sadd.s32 $0x40, s18;
	[tilespmem:s15+$0x1830 ss:$0x81] =	vst.msk $0xffff, v3  }
.Ltmp4:
0x3a: {  	_ = 	snop;
	(pc) =	sbr.rel .LBB1_4-.Ltmp4, $1  }
0x3b: {  	_ =	sdelay $0x3  }
.LBB1_6:
0x3c: {  	_ =	sfence.sel $0x180000  }
0x3d: {  	s2 =	simm.s32 $0x1;
	[bflag:$0x0] =	sbarrier.arrive $0xFFFF  }
0x3e: {  	s31 =	simm.s32 $0x2;
	[sflag:s2] =	ssyncpa.u1 $0x1  }
0x3f: {  	[sflag:s31] =	ssyncpa.u1 $0x1  }
0x40: {  	p0 =	sne.s32 s0, $0x0;
	_ =	strace $0x9000004A  }
0x41: {  	s0 =	sadd.s32 @!p0 $0x100000, s1;
	[bflag:$0x2] =	sbarrier.arrive $0xFFFF  }
0x42: {  	[sflag:s0] =	ssyncadd.tile.s32 @!p0 $0x1;
	_ =	shalt  }
.Lfunc_end1:
_tile_overlayer_lowered:
.L_overlay_start_2:
0x43: {  	(tag) =	ssettag $0x2  }
0x44: {  	s0 =	rddreg [dreg:$0x0];
	s2 =	stileid.u32  }
0x45: {  	s1 =	rddreg [dreg:$0x1];
	p0 =	sne.s32 s2, $0x0  }
0x46: {  	s3 =	rddreg [dreg:$0x2];
	[bflag:$0x3] =	sbarrier.arrive $0xFFFF;
	s2 =	simm.s32 @!p0 $0x1C01  }
0x47: {  	[timem:s3], [sflag:s2] =	dma.local @!p0 [hbm:s0], s1  }
0x48: {  	s0 =	simm.s32 @!p0 $0x1  }
0x49: {  	_ =	swait.ge @!p0 [sflag:s0], s1  }
0x4a: {  	s1 =	ssub.s32 @!p0 $0x0, s1;
	[sflag:s0] =	ssyncset.done @!p0 $0x0  }
0x4b: {  	[sflag:s0] =	ssyncadd.s32 @!p0 s1  }
0x4c: {  	[bflag:$0x3] =	sbarrier.arrive $0xFFFF  }
0x4d: {  	_ =	shalt  }

</sc_bundles>
